<compile_context>
chip_gen: v7x
topology: tpu7x:2x2x1
jax: 0.10.2.dev20260603
libtpu: 0.0.44.dev20260713+nightly
codegen_flags: <defaults>
</compile_context>

<pallas_src>
import functools

import jax
import jax.numpy as jnp
from jax import lax
from jax.experimental import pallas as pl
from jax.experimental.pallas import tpu as pltpu
from jax.experimental.pallas import tpu_sc as plsc

NC = 2
NS = 16
NW = NC * NS
CHUNK = 128
BUF = 640
NCH = BUF // CHUNK


def _make_kernel(n, d, tw):
    assert n % (NW * BUF) == 0
    n_blk = n // (NW * BUF)
    mesh = plsc.VectorSubcoreMesh(core_axis_name="c", subcore_axis_name="s")

    @functools.partial(
        pl.kernel,
        mesh=mesh,
        out_type=jax.ShapeDtypeStruct((n, d), jnp.float32),
        compiler_params=pltpu.CompilerParams(use_tc_tiling_on_sc=False),
        scratch_types=[
            pltpu.VMEM((BUF,), jnp.int32),
            pltpu.VMEM((BUF,), jnp.int32),
            pltpu.VMEM((BUF, tw), jnp.float32),
            pltpu.VMEM((BUF, tw), jnp.float32),
            pltpu.SemaphoreType.DMA,
            pltpu.SemaphoreType.DMA,
        ],
    )
    def k(idx_hbm, tab_hbm, out_hbm, idx0, idx1, rows0, rows1, sem0, sem1):
        wid = lax.axis_index("s") * NC + lax.axis_index("c")
        base = wid * (n_blk * BUF)

        def fire(blk, idx_v, rows_v, sem):
            off = base + blk * BUF
            pltpu.sync_copy(idx_hbm.at[pl.ds(off, BUF)], idx_v)
            return [
                pltpu.async_copy(
                    tab_hbm.at[idx_v.at[pl.ds(c * CHUNK, CHUNK)]],
                    rows_v.at[pl.ds(c * CHUNK, CHUNK)],
                    sem,
                )
                for c in range(NCH)
            ]

        def drain_store(blk, rows_v, handles):
            for h in handles:
                h.wait()
            off = base + blk * BUF
            pltpu.sync_copy(rows_v.at[:, pl.ds(0, d)], out_hbm.at[pl.ds(off, BUF)])

        fire(0, idx0, rows0, sem0)

        @pl.loop(0, n_blk, step=2)
        def _(blk):
            h1 = fire(blk + 1, idx1, rows1, sem1)
            h0 = [
                pltpu.make_async_copy(
                    tab_hbm.at[idx0.at[pl.ds(c * CHUNK, CHUNK)]],
                    rows0.at[pl.ds(c * CHUNK, CHUNK)],
                    sem0,
                )
                for c in range(NCH)
            ]
            drain_store(blk, rows0, h0)

            @pl.when(blk + 2 < n_blk)
            def _():
                fire(blk + 2, idx0, rows0, sem0)

            drain_store(blk + 1, rows1, h1)

    return k


def kernel(x, table_1, table_2):
    b, h = x.shape
    v, d = table_1.shape
    summed = table_1 + table_2
    xf = jnp.transpose(x).reshape(-1).astype(jnp.int32)
    out = _make_kernel(b * h, d, summed.shape[1])(xf, summed)
    return jnp.transpose(out.reshape(h, b, d), (1, 0, 2))

# --- scband reference (transcript-rebuilt; emitter-appended) ---
"""Pipeline reference for scband-embedding-8091718385993 (READ-ONLY COPY).

The authoritative reference and input builder live on the scoring server;
editing this copy changes nothing except your own understanding.
"""

import jax, jax.numpy as jnp
import numpy as np

VOCAB = 1000000
EMBED = 64
BATCH = 16384
HIST = 50

def setup_inputs(seed: int = 0) -> dict:
    key = jax.random.key(seed)
    k1, k2, k3 = jax.random.split(key, 3)
    x = jax.random.randint(k1, (BATCH, HIST), 0, VOCAB, dtype=jnp.int64 if jax.config.jax_enable_x64 else jnp.int32)
    table_1 = jax.random.normal(k2, (VOCAB, EMBED), dtype=jnp.float32) * 0.02
    table_2 = jax.random.normal(k3, (VOCAB, EMBED), dtype=jnp.float32) * 0.02
    return {"x": x, "table_1": table_1, "table_2": table_2}

def reference(x, table_1, table_2):
    # output = embed_2(x) + embed_1(x)
    out = jnp.take(table_2, x, axis=0) + jnp.take(table_1, x, axis=0)
    return out

if __name__ == "__main__":
    import jax
    _d = setup_inputs()
    print(jax.jit(kernel)(*tuple(_d.values())))

</pallas_src>

<mosaic_0001>
#map = affine_map<(d0, d1) -> (0)>
#map1 = affine_map<(d0, d1) -> (0, 0)>
module attributes {stable_mosaic.version = 14 : i64} {
  func.func @k(%arg0: i32, %arg1: i32, %arg2: memref<819200xi32, #tpu.memory_space<hbm>>, %arg3: memref<1000000x64xf32, #tpu.memory_space<hbm>>, %arg4: memref<819200x64xf32, #tpu.memory_space<hbm>>, %arg5: memref<640xi32, #tpu.memory_space<vmem>>, %arg6: memref<640xi32, #tpu.memory_space<vmem>>, %arg7: memref<640x64xf32, #tpu.memory_space<vmem>>, %arg8: memref<640x64xf32, #tpu.memory_space<vmem>>, %arg9: memref<!tpu.dma_semaphore, #tpu.memory_space<semaphore_mem>>, %arg10: memref<!tpu.dma_semaphore, #tpu.memory_space<semaphore_mem>>) attributes {dimension_semantics = [#tpu.dimension_semantics<core_parallel>, #tpu.dimension_semantics<subcore_parallel>], iteration_bounds = array<i64: 2, 16>, scalar_prefetch = 0 : i64, scratch_operands = 6 : i64, tpu.core_type = #tpu.core_type<sc_vector_subcore>, window_params = [{transform_indices = #map}, {transform_indices = #map1}, {transform_indices = #map1}]} {
    %mul3A = arith.constant 2 : i32
    %mul3A_0 = arith.muli %arg1, %mul3A : i32
    %add3A = arith.addi %mul3A_0, %arg0 : i32
    %mul3A_1 = arith.constant 25600 : i32
    %mul3A_2 = arith.muli %add3A, %mul3A_1 : i32
    %add3A_3 = arith.constant 0 : i32
    %add3A_4 = arith.addi %mul3A_2, %add3A_3 : i32
    "tpu.region"() ({
      %run_scoped3A = tpu.sem_alloc : memref<!tpu.dma_semaphore, #tpu.memory_space<semaphore_mem>>
      %dma_start3A_48 = tpu.memref_slice %arg2[%add3A_4] : memref<819200xi32, #tpu.memory_space<hbm>> -> memref<640xi32, #tpu.memory_space<hbm>>
      %dma_start3A_49 = tpu.memref_slice %arg2[%add3A_4] : memref<819200xi32, #tpu.memory_space<hbm>> -> memref<640xi32, #tpu.memory_space<hbm>>
      tpu.enqueue_dma source(%dma_start3A_49 : memref<640xi32, #tpu.memory_space<hbm>>) target(%arg5 : memref<640xi32, #tpu.memory_space<vmem>>) target_semaphore(%run_scoped3A : memref<!tpu.dma_semaphore, #tpu.memory_space<semaphore_mem>>)
      %dma_wait3A = tpu.memref_slice %arg2[%add3A_4] : memref<819200xi32, #tpu.memory_space<hbm>> -> memref<640xi32, #tpu.memory_space<hbm>>
      %dma_wait3A_50 = tpu.memref_slice %arg2[%add3A_4] : memref<819200xi32, #tpu.memory_space<hbm>> -> memref<640xi32, #tpu.memory_space<hbm>>
      tpu.wait_dma2 semaphore(%run_scoped3A : memref<!tpu.dma_semaphore, #tpu.memory_space<semaphore_mem>>) src(%dma_wait3A_50 : memref<640xi32, #tpu.memory_space<hbm>>) dst(%arg5 : memref<640xi32, #tpu.memory_space<vmem>>)
      tpu.yield
    }) : () -> ()
    %dma_start3A = arith.constant 0 : i32
    %dma_start3A_5 = arith.constant 0 : i32
    %dma_start3A_6 = tpu.memref_slice %arg7[%dma_start3A, %dma_start3A_5] : memref<640x64xf32, #tpu.memory_space<vmem>> -> memref<128x64xf32, #tpu.memory_space<vmem>>
    %dma_start3A_7 = arith.constant 0 : i32
    %dma_start3A_8 = tpu.memref_slice %arg5[%dma_start3A_7] : memref<640xi32, #tpu.memory_space<vmem>> -> memref<128xi32, #tpu.memory_space<vmem>>
    %dma_start3A_9 = arith.constant 0 : i32
    %dma_start3A_10 = arith.constant 0 : i32
    %dma_start3A_11 = tpu.memref_slice %arg3[%dma_start3A_9, %dma_start3A_10] : memref<1000000x64xf32, #tpu.memory_space<hbm>> -> memref<1000000x64xf32, #tpu.memory_space<hbm>>
    tpu.enqueue_indirect_dma source(%dma_start3A_11 : memref<1000000x64xf32, #tpu.memory_space<hbm>>) target(%dma_start3A_6 : memref<128x64xf32, #tpu.memory_space<vmem>>) offsets(%dma_start3A_8 : memref<128xi32, #tpu.memory_space<vmem>>) semaphore(%arg9 : memref<!tpu.dma_semaphore, #tpu.memory_space<semaphore_mem>>)
    %dma_start3A_12 = arith.constant 128 : i32
    %dma_start3A_13 = arith.constant 0 : i32
    %dma_start3A_14 = tpu.memref_slice %arg7[%dma_start3A_12, %dma_start3A_13] : memref<640x64xf32, #tpu.memory_space<vmem>> -> memref<128x64xf32, #tpu.memory_space<vmem>>
    %dma_start3A_15 = arith.constant 128 : i32
    %dma_start3A_16 = tpu.memref_slice %arg5[%dma_start3A_15] : memref<640xi32, #tpu.memory_space<vmem>> -> memref<128xi32, #tpu.memory_space<vmem>>
    %dma_start3A_17 = arith.constant 0 : i32
    %dma_start3A_18 = arith.constant 0 : i32
    %dma_start3A_19 = tpu.memref_slice %arg3[%dma_start3A_17, %dma_start3A_18] : memref<1000000x64xf32, #tpu.memory_space<hbm>> -> memref<1000000x64xf32, #tpu.memory_space<hbm>>
    tpu.enqueue_indirect_dma source(%dma_start3A_19 : memref<1000000x64xf32, #tpu.memory_space<hbm>>) target(%dma_start3A_14 : memref<128x64xf32, #tpu.memory_space<vmem>>) offsets(%dma_start3A_16 : memref<128xi32, #tpu.memory_space<vmem>>) semaphore(%arg9 : memref<!tpu.dma_semaphore, #tpu.memory_space<semaphore_mem>>)
    %dma_start3A_20 = arith.constant 256 : i32
    %dma_start3A_21 = arith.constant 0 : i32
    %dma_start3A_22 = tpu.memref_slice %arg7[%dma_start3A_20, %dma_start3A_21] : memref<640x64xf32, #tpu.memory_space<vmem>> -> memref<128x64xf32, #tpu.memory_space<vmem>>
    %dma_start3A_23 = arith.constant 256 : i32
    %dma_start3A_24 = tpu.memref_slice %arg5[%dma_start3A_23] : memref<640xi32, #tpu.memory_space<vmem>> -> memref<128xi32, #tpu.memory_space<vmem>>
    %dma_start3A_25 = arith.constant 0 : i32
    %dma_start3A_26 = arith.constant 0 : i32
    %dma_start3A_27 = tpu.memref_slice %arg3[%dma_start3A_25, %dma_start3A_26] : memref<1000000x64xf32, #tpu.memory_space<hbm>> -> memref<1000000x64xf32, #tpu.memory_space<hbm>>
    tpu.enqueue_indirect_dma source(%dma_start3A_27 : memref<1000000x64xf32, #tpu.memory_space<hbm>>) target(%dma_start3A_22 : memref<128x64xf32, #tpu.memory_space<vmem>>) offsets(%dma_start3A_24 : memref<128xi32, #tpu.memory_space<vmem>>) semaphore(%arg9 : memref<!tpu.dma_semaphore, #tpu.memory_space<semaphore_mem>>)
    %dma_start3A_28 = arith.constant 384 : i32
    %dma_start3A_29 = arith.constant 0 : i32
    %dma_start3A_30 = tpu.memref_slice %arg7[%dma_start3A_28, %dma_start3A_29] : memref<640x64xf32, #tpu.memory_space<vmem>> -> memref<128x64xf32, #tpu.memory_space<vmem>>
    %dma_start3A_31 = arith.constant 384 : i32
    %dma_start3A_32 = tpu.memref_slice %arg5[%dma_start3A_31] : memref<640xi32, #tpu.memory_space<vmem>> -> memref<128xi32, #tpu.memory_space<vmem>>
    %dma_start3A_33 = arith.constant 0 : i32
    %dma_start3A_34 = arith.constant 0 : i32
    %dma_start3A_35 = tpu.memref_slice %arg3[%dma_start3A_33, %dma_start3A_34] : memref<1000000x64xf32, #tpu.memory_space<hbm>> -> memref<1000000x64xf32, #tpu.memory_space<hbm>>
    tpu.enqueue_indirect_dma source(%dma_start3A_35 : memref<1000000x64xf32, #tpu.memory_space<hbm>>) target(%dma_start3A_30 : memref<128x64xf32, #tpu.memory_space<vmem>>) offsets(%dma_start3A_32 : memref<128xi32, #tpu.memory_space<vmem>>) semaphore(%arg9 : memref<!tpu.dma_semaphore, #tpu.memory_space<semaphore_mem>>)
    %dma_start3A_36 = arith.constant 512 : i32
    %dma_start3A_37 = arith.constant 0 : i32
    %dma_start3A_38 = tpu.memref_slice %arg7[%dma_start3A_36, %dma_start3A_37] : memref<640x64xf32, #tpu.memory_space<vmem>> -> memref<128x64xf32, #tpu.memory_space<vmem>>
    %dma_start3A_39 = arith.constant 512 : i32
    %dma_start3A_40 = tpu.memref_slice %arg5[%dma_start3A_39] : memref<640xi32, #tpu.memory_space<vmem>> -> memref<128xi32, #tpu.memory_space<vmem>>
    %dma_start3A_41 = arith.constant 0 : i32
    %dma_start3A_42 = arith.constant 0 : i32
    %dma_start3A_43 = tpu.memref_slice %arg3[%dma_start3A_41, %dma_start3A_42] : memref<1000000x64xf32, #tpu.memory_space<hbm>> -> memref<1000000x64xf32, #tpu.memory_space<hbm>>
    tpu.enqueue_indirect_dma source(%dma_start3A_43 : memref<1000000x64xf32, #tpu.memory_space<hbm>>) target(%dma_start3A_38 : memref<128x64xf32, #tpu.memory_space<vmem>>) offsets(%dma_start3A_40 : memref<128xi32, #tpu.memory_space<vmem>>) semaphore(%arg9 : memref<!tpu.dma_semaphore, #tpu.memory_space<semaphore_mem>>)
    %scan3A = arith.constant 0 : i32
    %scan3A_44 = arith.constant 20 : i32
    %scan3A_45 = arith.addi %scan3A, %scan3A_44 : i32
    %scan3A_46 = arith.constant 1 : i32
    scf.for %scan3A_48 = %scan3A to %scan3A_45 step %scan3A_46  : i32 {
      %mul3A_49 = arith.constant 2 : i32
      %mul3A_50 = arith.muli %scan3A_48, %mul3A_49 : i32
      %add3A_51 = arith.constant 0 : i32
      %add3A_52 = arith.addi %add3A_51, %mul3A_50 : i32
      %add3A_53 = arith.constant 1 : i32
      %add3A_54 = arith.addi %add3A_52, %add3A_53 : i32
      %mul3A_55 = arith.constant 640 : i32
      %mul3A_56 = arith.muli %add3A_54, %mul3A_55 : i32
      %add3A_57 = arith.addi %mul3A_2, %mul3A_56 : i32
      "tpu.region"() ({
        %run_scoped3A = tpu.sem_alloc : memref<!tpu.dma_semaphore, #tpu.memory_space<semaphore_mem>>
        %dma_start3A_189 = tpu.memref_slice %arg2[%add3A_57] : memref<819200xi32, #tpu.memory_space<hbm>> -> memref<640xi32, #tpu.memory_space<hbm>>
        %dma_start3A_190 = tpu.memref_slice %arg2[%add3A_57] : memref<819200xi32, #tpu.memory_space<hbm>> -> memref<640xi32, #tpu.memory_space<hbm>>
        tpu.enqueue_dma source(%dma_start3A_190 : memref<640xi32, #tpu.memory_space<hbm>>) target(%arg6 : memref<640xi32, #tpu.memory_space<vmem>>) target_semaphore(%run_scoped3A : memref<!tpu.dma_semaphore, #tpu.memory_space<semaphore_mem>>)
        %dma_wait3A_191 = tpu.memref_slice %arg2[%add3A_57] : memref<819200xi32, #tpu.memory_space<hbm>> -> memref<640xi32, #tpu.memory_space<hbm>>
        %dma_wait3A_192 = tpu.memref_slice %arg2[%add3A_57] : memref<819200xi32, #tpu.memory_space<hbm>> -> memref<640xi32, #tpu.memory_space<hbm>>
        tpu.wait_dma2 semaphore(%run_scoped3A : memref<!tpu.dma_semaphore, #tpu.memory_space<semaphore_mem>>) src(%dma_wait3A_192 : memref<640xi32, #tpu.memory_space<hbm>>) dst(%arg6 : memref<640xi32, #tpu.memory_space<vmem>>)
        tpu.yield
      }) : () -> ()
      %dma_start3A_58 = arith.constant 0 : i32
      %dma_start3A_59 = arith.constant 0 : i32
      %dma_start3A_60 = tpu.memref_slice %arg8[%dma_start3A_58, %dma_start3A_59] : memref<640x64xf32, #tpu.memory_space<vmem>> -> memref<128x64xf32, #tpu.memory_space<vmem>>
      %dma_start3A_61 = arith.constant 0 : i32
      %dma_start3A_62 = tpu.memref_slice %arg6[%dma_start3A_61] : memref<640xi32, #tpu.memory_space<vmem>> -> memref<128xi32, #tpu.memory_space<vmem>>
      %dma_start3A_63 = arith.constant 0 : i32
      %dma_start3A_64 = arith.constant 0 : i32
      %dma_start3A_65 = tpu.memref_slice %arg3[%dma_start3A_63, %dma_start3A_64] : memref<1000000x64xf32, #tpu.memory_space<hbm>> -> memref<1000000x64xf32, #tpu.memory_space<hbm>>
      tpu.enqueue_indirect_dma source(%dma_start3A_65 : memref<1000000x64xf32, #tpu.memory_space<hbm>>) target(%dma_start3A_60 : memref<128x64xf32, #tpu.memory_space<vmem>>) offsets(%dma_start3A_62 : memref<128xi32, #tpu.memory_space<vmem>>) semaphore(%arg10 : memref<!tpu.dma_semaphore, #tpu.memory_space<semaphore_mem>>)
      %dma_start3A_66 = arith.constant 128 : i32
      %dma_start3A_67 = arith.constant 0 : i32
      %dma_start3A_68 = tpu.memref_slice %arg8[%dma_start3A_66, %dma_start3A_67] : memref<640x64xf32, #tpu.memory_space<vmem>> -> memref<128x64xf32, #tpu.memory_space<vmem>>
      %dma_start3A_69 = arith.constant 128 : i32
      %dma_start3A_70 = tpu.memref_slice %arg6[%dma_start3A_69] : memref<640xi32, #tpu.memory_space<vmem>> -> memref<128xi32, #tpu.memory_space<vmem>>
      %dma_start3A_71 = arith.constant 0 : i32
      %dma_start3A_72 = arith.constant 0 : i32
      %dma_start3A_73 = tpu.memref_slice %arg3[%dma_start3A_71, %dma_start3A_72] : memref<1000000x64xf32, #tpu.memory_space<hbm>> -> memref<1000000x64xf32, #tpu.memory_space<hbm>>
      tpu.enqueue_indirect_dma source(%dma_start3A_73 : memref<1000000x64xf32, #tpu.memory_space<hbm>>) target(%dma_start3A_68 : memref<128x64xf32, #tpu.memory_space<vmem>>) offsets(%dma_start3A_70 : memref<128xi32, #tpu.memory_space<vmem>>) semaphore(%arg10 : memref<!tpu.dma_semaphore, #tpu.memory_space<semaphore_mem>>)
      %dma_start3A_74 = arith.constant 256 : i32
      %dma_start3A_75 = arith.constant 0 : i32
      %dma_start3A_76 = tpu.memref_slice %arg8[%dma_start3A_74, %dma_start3A_75] : memref<640x64xf32, #tpu.memory_space<vmem>> -> memref<128x64xf32, #tpu.memory_space<vmem>>
      %dma_start3A_77 = arith.constant 256 : i32
      %dma_start3A_78 = tpu.memref_slice %arg6[%dma_start3A_77] : memref<640xi32, #tpu.memory_space<vmem>> -> memref<128xi32, #tpu.memory_space<vmem>>
      %dma_start3A_79 = arith.constant 0 : i32
      %dma_start3A_80 = arith.constant 0 : i32
      %dma_start3A_81 = tpu.memref_slice %arg3[%dma_start3A_79, %dma_start3A_80] : memref<1000000x64xf32, #tpu.memory_space<hbm>> -> memref<1000000x64xf32, #tpu.memory_space<hbm>>
      tpu.enqueue_indirect_dma source(%dma_start3A_81 : memref<1000000x64xf32, #tpu.memory_space<hbm>>) target(%dma_start3A_76 : memref<128x64xf32, #tpu.memory_space<vmem>>) offsets(%dma_start3A_78 : memref<128xi32, #tpu.memory_space<vmem>>) semaphore(%arg10 : memref<!tpu.dma_semaphore, #tpu.memory_space<semaphore_mem>>)
      %dma_start3A_82 = arith.constant 384 : i32
      %dma_start3A_83 = arith.constant 0 : i32
      %dma_start3A_84 = tpu.memref_slice %arg8[%dma_start3A_82, %dma_start3A_83] : memref<640x64xf32, #tpu.memory_space<vmem>> -> memref<128x64xf32, #tpu.memory_space<vmem>>
      %dma_start3A_85 = arith.constant 384 : i32
      %dma_start3A_86 = tpu.memref_slice %arg6[%dma_start3A_85] : memref<640xi32, #tpu.memory_space<vmem>> -> memref<128xi32, #tpu.memory_space<vmem>>
      %dma_start3A_87 = arith.constant 0 : i32
      %dma_start3A_88 = arith.constant 0 : i32
      %dma_start3A_89 = tpu.memref_slice %arg3[%dma_start3A_87, %dma_start3A_88] : memref<1000000x64xf32, #tpu.memory_space<hbm>> -> memref<1000000x64xf32, #tpu.memory_space<hbm>>
      tpu.enqueue_indirect_dma source(%dma_start3A_89 : memref<1000000x64xf32, #tpu.memory_space<hbm>>) target(%dma_start3A_84 : memref<128x64xf32, #tpu.memory_space<vmem>>) offsets(%dma_start3A_86 : memref<128xi32, #tpu.memory_space<vmem>>) semaphore(%arg10 : memref<!tpu.dma_semaphore, #tpu.memory_space<semaphore_mem>>)
      %dma_start3A_90 = arith.constant 512 : i32
      %dma_start3A_91 = arith.constant 0 : i32
      %dma_start3A_92 = tpu.memref_slice %arg8[%dma_start3A_90, %dma_start3A_91] : memref<640x64xf32, #tpu.memory_space<vmem>> -> memref<128x64xf32, #tpu.memory_space<vmem>>
      %dma_start3A_93 = arith.constant 512 : i32
      %dma_start3A_94 = tpu.memref_slice %arg6[%dma_start3A_93] : memref<640xi32, #tpu.memory_space<vmem>> -> memref<128xi32, #tpu.memory_space<vmem>>
      %dma_start3A_95 = arith.constant 0 : i32
      %dma_start3A_96 = arith.constant 0 : i32
      %dma_start3A_97 = tpu.memref_slice %arg3[%dma_start3A_95, %dma_start3A_96] : memref<1000000x64xf32, #tpu.memory_space<hbm>> -> memref<1000000x64xf32, #tpu.memory_space<hbm>>
      tpu.enqueue_indirect_dma source(%dma_start3A_97 : memref<1000000x64xf32, #tpu.memory_space<hbm>>) target(%dma_start3A_92 : memref<128x64xf32, #tpu.memory_space<vmem>>) offsets(%dma_start3A_94 : memref<128xi32, #tpu.memory_space<vmem>>) semaphore(%arg10 : memref<!tpu.dma_semaphore, #tpu.memory_space<semaphore_mem>>)
      %dma_wait3A = arith.constant 0 : i32
      %dma_wait3A_98 = arith.constant 0 : i32
      %dma_wait3A_99 = tpu.memref_slice %arg7[%dma_wait3A, %dma_wait3A_98] : memref<640x64xf32, #tpu.memory_space<vmem>> -> memref<128x64xf32, #tpu.memory_space<vmem>>
      %dma_wait3A_100 = arith.constant 0 : i32
      %dma_wait3A_101 = tpu.memref_slice %arg5[%dma_wait3A_100] : memref<640xi32, #tpu.memory_space<vmem>> -> memref<128xi32, #tpu.memory_space<vmem>>
      %dma_wait3A_102 = arith.constant 0 : i32
      %dma_wait3A_103 = arith.constant 0 : i32
      %dma_wait3A_104 = tpu.memref_slice %arg3[%dma_wait3A_102, %dma_wait3A_103] : memref<1000000x64xf32, #tpu.memory_space<hbm>> -> memref<1000000x64xf32, #tpu.memory_space<hbm>>
      tpu.wait_indirect_dma semaphore(%arg9 : memref<!tpu.dma_semaphore, #tpu.memory_space<semaphore_mem>>) src(%dma_wait3A_104 : memref<1000000x64xf32, #tpu.memory_space<hbm>>) dst(%dma_wait3A_99 : memref<128x64xf32, #tpu.memory_space<vmem>>)
      %dma_wait3A_105 = arith.constant 128 : i32
      %dma_wait3A_106 = arith.constant 0 : i32
      %dma_wait3A_107 = tpu.memref_slice %arg7[%dma_wait3A_105, %dma_wait3A_106] : memref<640x64xf32, #tpu.memory_space<vmem>> -> memref<128x64xf32, #tpu.memory_space<vmem>>
      %dma_wait3A_108 = arith.constant 128 : i32
      %dma_wait3A_109 = tpu.memref_slice %arg5[%dma_wait3A_108] : memref<640xi32, #tpu.memory_space<vmem>> -> memref<128xi32, #tpu.memory_space<vmem>>
      %dma_wait3A_110 = arith.constant 0 : i32
      %dma_wait3A_111 = arith.constant 0 : i32
      %dma_wait3A_112 = tpu.memref_slice %arg3[%dma_wait3A_110, %dma_wait3A_111] : memref<1000000x64xf32, #tpu.memory_space<hbm>> -> memref<1000000x64xf32, #tpu.memory_space<hbm>>
      tpu.wait_indirect_dma semaphore(%arg9 : memref<!tpu.dma_semaphore, #tpu.memory_space<semaphore_mem>>) src(%dma_wait3A_112 : memref<1000000x64xf32, #tpu.memory_space<hbm>>) dst(%dma_wait3A_107 : memref<128x64xf32, #tpu.memory_space<vmem>>)
      %dma_wait3A_113 = arith.constant 256 : i32
      %dma_wait3A_114 = arith.constant 0 : i32
      %dma_wait3A_115 = tpu.memref_slice %arg7[%dma_wait3A_113, %dma_wait3A_114] : memref<640x64xf32, #tpu.memory_space<vmem>> -> memref<128x64xf32, #tpu.memory_space<vmem>>
      %dma_wait3A_116 = arith.constant 256 : i32
      %dma_wait3A_117 = tpu.memref_slice %arg5[%dma_wait3A_116] : memref<640xi32, #tpu.memory_space<vmem>> -> memref<128xi32, #tpu.memory_space<vmem>>
      %dma_wait3A_118 = arith.constant 0 : i32
      %dma_wait3A_119 = arith.constant 0 : i32
      %dma_wait3A_120 = tpu.memref_slice %arg3[%dma_wait3A_118, %dma_wait3A_119] : memref<1000000x64xf32, #tpu.memory_space<hbm>> -> memref<1000000x64xf32, #tpu.memory_space<hbm>>
      tpu.wait_indirect_dma semaphore(%arg9 : memref<!tpu.dma_semaphore, #tpu.memory_space<semaphore_mem>>) src(%dma_wait3A_120 : memref<1000000x64xf32, #tpu.memory_space<hbm>>) dst(%dma_wait3A_115 : memref<128x64xf32, #tpu.memory_space<vmem>>)
      %dma_wait3A_121 = arith.constant 384 : i32
      %dma_wait3A_122 = arith.constant 0 : i32
      %dma_wait3A_123 = tpu.memref_slice %arg7[%dma_wait3A_121, %dma_wait3A_122] : memref<640x64xf32, #tpu.memory_space<vmem>> -> memref<128x64xf32, #tpu.memory_space<vmem>>
      %dma_wait3A_124 = arith.constant 384 : i32
      %dma_wait3A_125 = tpu.memref_slice %arg5[%dma_wait3A_124] : memref<640xi32, #tpu.memory_space<vmem>> -> memref<128xi32, #tpu.memory_space<vmem>>
      %dma_wait3A_126 = arith.constant 0 : i32
      %dma_wait3A_127 = arith.constant 0 : i32
      %dma_wait3A_128 = tpu.memref_slice %arg3[%dma_wait3A_126, %dma_wait3A_127] : memref<1000000x64xf32, #tpu.memory_space<hbm>> -> memref<1000000x64xf32, #tpu.memory_space<hbm>>
      tpu.wait_indirect_dma semaphore(%arg9 : memref<!tpu.dma_semaphore, #tpu.memory_space<semaphore_mem>>) src(%dma_wait3A_128 : memref<1000000x64xf32, #tpu.memory_space<hbm>>) dst(%dma_wait3A_123 : memref<128x64xf32, #tpu.memory_space<vmem>>)
      %dma_wait3A_129 = arith.constant 512 : i32
      %dma_wait3A_130 = arith.constant 0 : i32
      %dma_wait3A_131 = tpu.memref_slice %arg7[%dma_wait3A_129, %dma_wait3A_130] : memref<640x64xf32, #tpu.memory_space<vmem>> -> memref<128x64xf32, #tpu.memory_space<vmem>>
      %dma_wait3A_132 = arith.constant 512 : i32
      %dma_wait3A_133 = tpu.memref_slice %arg5[%dma_wait3A_132] : memref<640xi32, #tpu.memory_space<vmem>> -> memref<128xi32, #tpu.memory_space<vmem>>
      %dma_wait3A_134 = arith.constant 0 : i32
      %dma_wait3A_135 = arith.constant 0 : i32
      %dma_wait3A_136 = tpu.memref_slice %arg3[%dma_wait3A_134, %dma_wait3A_135] : memref<1000000x64xf32, #tpu.memory_space<hbm>> -> memref<1000000x64xf32, #tpu.memory_space<hbm>>
      tpu.wait_indirect_dma semaphore(%arg9 : memref<!tpu.dma_semaphore, #tpu.memory_space<semaphore_mem>>) src(%dma_wait3A_136 : memref<1000000x64xf32, #tpu.memory_space<hbm>>) dst(%dma_wait3A_131 : memref<128x64xf32, #tpu.memory_space<vmem>>)
      %mul3A_137 = arith.constant 640 : i32
      %mul3A_138 = arith.muli %add3A_52, %mul3A_137 : i32
      %add3A_139 = arith.addi %mul3A_2, %mul3A_138 : i32
      "tpu.region"() ({
        %run_scoped3A = tpu.sem_alloc : memref<!tpu.dma_semaphore, #tpu.memory_space<semaphore_mem>>
        %dma_start3A_189 = arith.constant 0 : i32
        %dma_start3A_190 = arith.constant 0 : i32
        %dma_start3A_191 = tpu.memref_slice %arg7[%dma_start3A_189, %dma_start3A_190] : memref<640x64xf32, #tpu.memory_space<vmem>> -> memref<640x64xf32, #tpu.memory_space<vmem>>
        %dma_start3A_192 = arith.constant 0 : i32
        %dma_start3A_193 = tpu.memref_slice %arg4[%add3A_139, %dma_start3A_192] : memref<819200x64xf32, #tpu.memory_space<hbm>> -> memref<640x64xf32, #tpu.memory_space<hbm>>
        %dma_start3A_194 = arith.constant 0 : i32
        %dma_start3A_195 = tpu.memref_slice %arg4[%add3A_139, %dma_start3A_194] : memref<819200x64xf32, #tpu.memory_space<hbm>> -> memref<640x64xf32, #tpu.memory_space<hbm>>
        %dma_start3A_196 = arith.constant 0 : i32
        %dma_start3A_197 = arith.constant 0 : i32
        %dma_start3A_198 = tpu.memref_slice %arg7[%dma_start3A_196, %dma_start3A_197] : memref<640x64xf32, #tpu.memory_space<vmem>> -> memref<640x64xf32, #tpu.memory_space<vmem>>
        tpu.enqueue_dma source(%dma_start3A_198 : memref<640x64xf32, #tpu.memory_space<vmem>>) target(%dma_start3A_195 : memref<640x64xf32, #tpu.memory_space<hbm>>) target_semaphore(%run_scoped3A : memref<!tpu.dma_semaphore, #tpu.memory_space<semaphore_mem>>)
        %dma_wait3A_199 = arith.constant 0 : i32
        %dma_wait3A_200 = arith.constant 0 : i32
        %dma_wait3A_201 = tpu.memref_slice %arg7[%dma_wait3A_199, %dma_wait3A_200] : memref<640x64xf32, #tpu.memory_space<vmem>> -> memref<640x64xf32, #tpu.memory_space<vmem>>
        %dma_wait3A_202 = arith.constant 0 : i32
        %dma_wait3A_203 = tpu.memref_slice %arg4[%add3A_139, %dma_wait3A_202] : memref<819200x64xf32, #tpu.memory_space<hbm>> -> memref<640x64xf32, #tpu.memory_space<hbm>>
        %dma_wait3A_204 = arith.constant 0 : i32
        %dma_wait3A_205 = tpu.memref_slice %arg4[%add3A_139, %dma_wait3A_204] : memref<819200x64xf32, #tpu.memory_space<hbm>> -> memref<640x64xf32, #tpu.memory_space<hbm>>
        %dma_wait3A_206 = arith.constant 0 : i32
        %dma_wait3A_207 = arith.constant 0 : i32
        %dma_wait3A_208 = tpu.memref_slice %arg7[%dma_wait3A_206, %dma_wait3A_207] : memref<640x64xf32, #tpu.memory_space<vmem>> -> memref<640x64xf32, #tpu.memory_space<vmem>>
        tpu.wait_dma2 semaphore(%run_scoped3A : memref<!tpu.dma_semaphore, #tpu.memory_space<semaphore_mem>>) src(%dma_wait3A_208 : memref<640x64xf32, #tpu.memory_space<vmem>>) dst(%dma_wait3A_205 : memref<640x64xf32, #tpu.memory_space<hbm>>)
        tpu.yield
      }) : () -> ()
      %add3A_140 = arith.constant 2 : i32
      %add3A_141 = arith.addi %add3A_52, %add3A_140 : i32
      %lt3A = arith.constant 40 : i32
      %lt3A_142 = arith.cmpi slt, %add3A_141, %lt3A : i32
      %convert_element_type3A = arith.extui %lt3A_142 : i1 to i32
      %cond3A = arith.constant 0 : i32
      %cond3A_143 = arith.cmpi ne, %convert_element_type3A, %cond3A : i32
      scf.if %cond3A_143 {
        %add3A_189 = arith.constant 2 : i32
        %add3A_190 = arith.addi %add3A_52, %add3A_189 : i32
        %mul3A_191 = arith.constant 640 : i32
        %mul3A_192 = arith.muli %add3A_190, %mul3A_191 : i32
        %add3A_193 = arith.addi %mul3A_2, %mul3A_192 : i32
        "tpu.region"() ({
          %run_scoped3A = tpu.sem_alloc : memref<!tpu.dma_semaphore, #tpu.memory_space<semaphore_mem>>
          %dma_start3A_234 = tpu.memref_slice %arg2[%add3A_193] : memref<819200xi32, #tpu.memory_space<hbm>> -> memref<640xi32, #tpu.memory_space<hbm>>
          %dma_start3A_235 = tpu.memref_slice %arg2[%add3A_193] : memref<819200xi32, #tpu.memory_space<hbm>> -> memref<640xi32, #tpu.memory_space<hbm>>
          tpu.enqueue_dma source(%dma_start3A_235 : memref<640xi32, #tpu.memory_space<hbm>>) target(%arg5 : memref<640xi32, #tpu.memory_space<vmem>>) target_semaphore(%run_scoped3A : memref<!tpu.dma_semaphore, #tpu.memory_space<semaphore_mem>>)
          %dma_wait3A_236 = tpu.memref_slice %arg2[%add3A_193] : memref<819200xi32, #tpu.memory_space<hbm>> -> memref<640xi32, #tpu.memory_space<hbm>>
          %dma_wait3A_237 = tpu.memref_slice %arg2[%add3A_193] : memref<819200xi32, #tpu.memory_space<hbm>> -> memref<640xi32, #tpu.memory_space<hbm>>
          tpu.wait_dma2 semaphore(%run_scoped3A : memref<!tpu.dma_semaphore, #tpu.memory_space<semaphore_mem>>) src(%dma_wait3A_237 : memref<640xi32, #tpu.memory_space<hbm>>) dst(%arg5 : memref<640xi32, #tpu.memory_space<vmem>>)
          tpu.yield
        }) : () -> ()
        %dma_start3A_194 = arith.constant 0 : i32
        %dma_start3A_195 = arith.constant 0 : i32
        %dma_start3A_196 = tpu.memref_slice %arg7[%dma_start3A_194, %dma_start3A_195] : memref<640x64xf32, #tpu.memory_space<vmem>> -> memref<128x64xf32, #tpu.memory_space<vmem>>
        %dma_start3A_197 = arith.constant 0 : i32
        %dma_start3A_198 = tpu.memref_slice %arg5[%dma_start3A_197] : memref<640xi32, #tpu.memory_space<vmem>> -> memref<128xi32, #tpu.memory_space<vmem>>
        %dma_start3A_199 = arith.constant 0 : i32
        %dma_start3A_200 = arith.constant 0 : i32
        %dma_start3A_201 = tpu.memref_slice %arg3[%dma_start3A_199, %dma_start3A_200] : memref<1000000x64xf32, #tpu.memory_space<hbm>> -> memref<1000000x64xf32, #tpu.memory_space<hbm>>
        tpu.enqueue_indirect_dma source(%dma_start3A_201 : memref<1000000x64xf32, #tpu.memory_space<hbm>>) target(%dma_start3A_196 : memref<128x64xf32, #tpu.memory_space<vmem>>) offsets(%dma_start3A_198 : memref<128xi32, #tpu.memory_space<vmem>>) semaphore(%arg9 : memref<!tpu.dma_semaphore, #tpu.memory_space<semaphore_mem>>)
        %dma_start3A_202 = arith.constant 128 : i32
        %dma_start3A_203 = arith.constant 0 : i32
        %dma_start3A_204 = tpu.memref_slice %arg7[%dma_start3A_202, %dma_start3A_203] : memref<640x64xf32, #tpu.memory_space<vmem>> -> memref<128x64xf32, #tpu.memory_space<vmem>>
        %dma_start3A_205 = arith.constant 128 : i32
        %dma_start3A_206 = tpu.memref_slice %arg5[%dma_start3A_205] : memref<640xi32, #tpu.memory_space<vmem>> -> memref<128xi32, #tpu.memory_space<vmem>>
        %dma_start3A_207 = arith.constant 0 : i32
        %dma_start3A_208 = arith.constant 0 : i32
        %dma_start3A_209 = tpu.memref_slice %arg3[%dma_start3A_207, %dma_start3A_208] : memref<1000000x64xf32, #tpu.memory_space<hbm>> -> memref<1000000x64xf32, #tpu.memory_space<hbm>>
        tpu.enqueue_indirect_dma source(%dma_start3A_209 : memref<1000000x64xf32, #tpu.memory_space<hbm>>) target(%dma_start3A_204 : memref<128x64xf32, #tpu.memory_space<vmem>>) offsets(%dma_start3A_206 : memref<128xi32, #tpu.memory_space<vmem>>) semaphore(%arg9 : memref<!tpu.dma_semaphore, #tpu.memory_space<semaphore_mem>>)
        %dma_start3A_210 = arith.constant 256 : i32
        %dma_start3A_211 = arith.constant 0 : i32
        %dma_start3A_212 = tpu.memref_slice %arg7[%dma_start3A_210, %dma_start3A_211] : memref<640x64xf32, #tpu.memory_space<vmem>> -> memref<128x64xf32, #tpu.memory_space<vmem>>
        %dma_start3A_213 = arith.constant 256 : i32
        %dma_start3A_214 = tpu.memref_slice %arg5[%dma_start3A_213] : memref<640xi32, #tpu.memory_space<vmem>> -> memref<128xi32, #tpu.memory_space<vmem>>
        %dma_start3A_215 = arith.constant 0 : i32
        %dma_start3A_216 = arith.constant 0 : i32
        %dma_start3A_217 = tpu.memref_slice %arg3[%dma_start3A_215, %dma_start3A_216] : memref<1000000x64xf32, #tpu.memory_space<hbm>> -> memref<1000000x64xf32, #tpu.memory_space<hbm>>
        tpu.enqueue_indirect_dma source(%dma_start3A_217 : memref<1000000x64xf32, #tpu.memory_space<hbm>>) target(%dma_start3A_212 : memref<128x64xf32, #tpu.memory_space<vmem>>) offsets(%dma_start3A_214 : memref<128xi32, #tpu.memory_space<vmem>>) semaphore(%arg9 : memref<!tpu.dma_semaphore, #tpu.memory_space<semaphore_mem>>)
        %dma_start3A_218 = arith.constant 384 : i32
        %dma_start3A_219 = arith.constant 0 : i32
        %dma_start3A_220 = tpu.memref_slice %arg7[%dma_start3A_218, %dma_start3A_219] : memref<640x64xf32, #tpu.memory_space<vmem>> -> memref<128x64xf32, #tpu.memory_space<vmem>>
        %dma_start3A_221 = arith.constant 384 : i32
        %dma_start3A_222 = tpu.memref_slice %arg5[%dma_start3A_221] : memref<640xi32, #tpu.memory_space<vmem>> -> memref<128xi32, #tpu.memory_space<vmem>>
        %dma_start3A_223 = arith.constant 0 : i32
        %dma_start3A_224 = arith.constant 0 : i32
        %dma_start3A_225 = tpu.memref_slice %arg3[%dma_start3A_223, %dma_start3A_224] : memref<1000000x64xf32, #tpu.memory_space<hbm>> -> memref<1000000x64xf32, #tpu.memory_space<hbm>>
        tpu.enqueue_indirect_dma source(%dma_start3A_225 : memref<1000000x64xf32, #tpu.memory_space<hbm>>) target(%dma_start3A_220 : memref<128x64xf32, #tpu.memory_space<vmem>>) offsets(%dma_start3A_222 : memref<128xi32, #tpu.memory_space<vmem>>) semaphore(%arg9 : memref<!tpu.dma_semaphore, #tpu.memory_space<semaphore_mem>>)
        %dma_start3A_226 = arith.constant 512 : i32
        %dma_start3A_227 = arith.constant 0 : i32
        %dma_start3A_228 = tpu.memref_slice %arg7[%dma_start3A_226, %dma_start3A_227] : memref<640x64xf32, #tpu.memory_space<vmem>> -> memref<128x64xf32, #tpu.memory_space<vmem>>
        %dma_start3A_229 = arith.constant 512 : i32
        %dma_start3A_230 = tpu.memref_slice %arg5[%dma_start3A_229] : memref<640xi32, #tpu.memory_space<vmem>> -> memref<128xi32, #tpu.memory_space<vmem>>
        %dma_start3A_231 = arith.constant 0 : i32
        %dma_start3A_232 = arith.constant 0 : i32
        %dma_start3A_233 = tpu.memref_slice %arg3[%dma_start3A_231, %dma_start3A_232] : memref<1000000x64xf32, #tpu.memory_space<hbm>> -> memref<1000000x64xf32, #tpu.memory_space<hbm>>
        tpu.enqueue_indirect_dma source(%dma_start3A_233 : memref<1000000x64xf32, #tpu.memory_space<hbm>>) target(%dma_start3A_228 : memref<128x64xf32, #tpu.memory_space<vmem>>) offsets(%dma_start3A_230 : memref<128xi32, #tpu.memory_space<vmem>>) semaphore(%arg9 : memref<!tpu.dma_semaphore, #tpu.memory_space<semaphore_mem>>)
      } else {
      }
      %add3A_144 = arith.constant 1 : i32
      %add3A_145 = arith.addi %add3A_52, %add3A_144 : i32
      %dma_wait3A_146 = arith.constant 0 : i32
      %dma_wait3A_147 = arith.constant 0 : i32
      %dma_wait3A_148 = tpu.memref_slice %arg8[%dma_wait3A_146, %dma_wait3A_147] : memref<640x64xf32, #tpu.memory_space<vmem>> -> memref<128x64xf32, #tpu.memory_space<vmem>>
      %dma_wait3A_149 = arith.constant 0 : i32
      %dma_wait3A_150 = tpu.memref_slice %arg6[%dma_wait3A_149] : memref<640xi32, #tpu.memory_space<vmem>> -> memref<128xi32, #tpu.memory_space<vmem>>
      %dma_wait3A_151 = arith.constant 0 : i32
      %dma_wait3A_152 = arith.constant 0 : i32
      %dma_wait3A_153 = tpu.memref_slice %arg3[%dma_wait3A_151, %dma_wait3A_152] : memref<1000000x64xf32, #tpu.memory_space<hbm>> -> memref<1000000x64xf32, #tpu.memory_space<hbm>>
      tpu.wait_indirect_dma semaphore(%arg10 : memref<!tpu.dma_semaphore, #tpu.memory_space<semaphore_mem>>) src(%dma_wait3A_153 : memref<1000000x64xf32, #tpu.memory_space<hbm>>) dst(%dma_wait3A_148 : memref<128x64xf32, #tpu.memory_space<vmem>>)
      %dma_wait3A_154 = arith.constant 128 : i32
      %dma_wait3A_155 = arith.constant 0 : i32
      %dma_wait3A_156 = tpu.memref_slice %arg8[%dma_wait3A_154, %dma_wait3A_155] : memref<640x64xf32, #tpu.memory_space<vmem>> -> memref<128x64xf32, #tpu.memory_space<vmem>>
      %dma_wait3A_157 = arith.constant 128 : i32
      %dma_wait3A_158 = tpu.memref_slice %arg6[%dma_wait3A_157] : memref<640xi32, #tpu.memory_space<vmem>> -> memref<128xi32, #tpu.memory_space<vmem>>
      %dma_wait3A_159 = arith.constant 0 : i32
      %dma_wait3A_160 = arith.constant 0 : i32
      %dma_wait3A_161 = tpu.memref_slice %arg3[%dma_wait3A_159, %dma_wait3A_160] : memref<1000000x64xf32, #tpu.memory_space<hbm>> -> memref<1000000x64xf32, #tpu.memory_space<hbm>>
      tpu.wait_indirect_dma semaphore(%arg10 : memref<!tpu.dma_semaphore, #tpu.memory_space<semaphore_mem>>) src(%dma_wait3A_161 : memref<1000000x64xf32, #tpu.memory_space<hbm>>) dst(%dma_wait3A_156 : memref<128x64xf32, #tpu.memory_space<vmem>>)
      %dma_wait3A_162 = arith.constant 256 : i32
      %dma_wait3A_163 = arith.constant 0 : i32
      %dma_wait3A_164 = tpu.memref_slice %arg8[%dma_wait3A_162, %dma_wait3A_163] : memref<640x64xf32, #tpu.memory_space<vmem>> -> memref<128x64xf32, #tpu.memory_space<vmem>>
      %dma_wait3A_165 = arith.constant 256 : i32
      %dma_wait3A_166 = tpu.memref_slice %arg6[%dma_wait3A_165] : memref<640xi32, #tpu.memory_space<vmem>> -> memref<128xi32, #tpu.memory_space<vmem>>
      %dma_wait3A_167 = arith.constant 0 : i32
      %dma_wait3A_168 = arith.constant 0 : i32
      %dma_wait3A_169 = tpu.memref_slice %arg3[%dma_wait3A_167, %dma_wait3A_168] : memref<1000000x64xf32, #tpu.memory_space<hbm>> -> memref<1000000x64xf32, #tpu.memory_space<hbm>>
      tpu.wait_indirect_dma semaphore(%arg10 : memref<!tpu.dma_semaphore, #tpu.memory_space<semaphore_mem>>) src(%dma_wait3A_169 : memref<1000000x64xf32, #tpu.memory_space<hbm>>) dst(%dma_wait3A_164 : memref<128x64xf32, #tpu.memory_space<vmem>>)
      %dma_wait3A_170 = arith.constant 384 : i32
      %dma_wait3A_171 = arith.constant 0 : i32
      %dma_wait3A_172 = tpu.memref_slice %arg8[%dma_wait3A_170, %dma_wait3A_171] : memref<640x64xf32, #tpu.memory_space<vmem>> -> memref<128x64xf32, #tpu.memory_space<vmem>>
      %dma_wait3A_173 = arith.constant 384 : i32
      %dma_wait3A_174 = tpu.memref_slice %arg6[%dma_wait3A_173] : memref<640xi32, #tpu.memory_space<vmem>> -> memref<128xi32, #tpu.memory_space<vmem>>
      %dma_wait3A_175 = arith.constant 0 : i32
      %dma_wait3A_176 = arith.constant 0 : i32
      %dma_wait3A_177 = tpu.memref_slice %arg3[%dma_wait3A_175, %dma_wait3A_176] : memref<1000000x64xf32, #tpu.memory_space<hbm>> -> memref<1000000x64xf32, #tpu.memory_space<hbm>>
      tpu.wait_indirect_dma semaphore(%arg10 : memref<!tpu.dma_semaphore, #tpu.memory_space<semaphore_mem>>) src(%dma_wait3A_177 : memref<1000000x64xf32, #tpu.memory_space<hbm>>) dst(%dma_wait3A_172 : memref<128x64xf32, #tpu.memory_space<vmem>>)
      %dma_wait3A_178 = arith.constant 512 : i32
      %dma_wait3A_179 = arith.constant 0 : i32
      %dma_wait3A_180 = tpu.memref_slice %arg8[%dma_wait3A_178, %dma_wait3A_179] : memref<640x64xf32, #tpu.memory_space<vmem>> -> memref<128x64xf32, #tpu.memory_space<vmem>>
      %dma_wait3A_181 = arith.constant 512 : i32
      %dma_wait3A_182 = tpu.memref_slice %arg6[%dma_wait3A_181] : memref<640xi32, #tpu.memory_space<vmem>> -> memref<128xi32, #tpu.memory_space<vmem>>
      %dma_wait3A_183 = arith.constant 0 : i32
      %dma_wait3A_184 = arith.constant 0 : i32
      %dma_wait3A_185 = tpu.memref_slice %arg3[%dma_wait3A_183, %dma_wait3A_184] : memref<1000000x64xf32, #tpu.memory_space<hbm>> -> memref<1000000x64xf32, #tpu.memory_space<hbm>>
      tpu.wait_indirect_dma semaphore(%arg10 : memref<!tpu.dma_semaphore, #tpu.memory_space<semaphore_mem>>) src(%dma_wait3A_185 : memref<1000000x64xf32, #tpu.memory_space<hbm>>) dst(%dma_wait3A_180 : memref<128x64xf32, #tpu.memory_space<vmem>>)
      %mul3A_186 = arith.constant 640 : i32
      %mul3A_187 = arith.muli %add3A_145, %mul3A_186 : i32
      %add3A_188 = arith.addi %mul3A_2, %mul3A_187 : i32
      "tpu.region"() ({
        %run_scoped3A = tpu.sem_alloc : memref<!tpu.dma_semaphore, #tpu.memory_space<semaphore_mem>>
        %dma_start3A_189 = arith.constant 0 : i32
        %dma_start3A_190 = arith.constant 0 : i32
        %dma_start3A_191 = tpu.memref_slice %arg8[%dma_start3A_189, %dma_start3A_190] : memref<640x64xf32, #tpu.memory_space<vmem>> -> memref<640x64xf32, #tpu.memory_space<vmem>>
        %dma_start3A_192 = arith.constant 0 : i32
        %dma_start3A_193 = tpu.memref_slice %arg4[%add3A_188, %dma_start3A_192] : memref<819200x64xf32, #tpu.memory_space<hbm>> -> memref<640x64xf32, #tpu.memory_space<hbm>>
        %dma_start3A_194 = arith.constant 0 : i32
        %dma_start3A_195 = tpu.memref_slice %arg4[%add3A_188, %dma_start3A_194] : memref<819200x64xf32, #tpu.memory_space<hbm>> -> memref<640x64xf32, #tpu.memory_space<hbm>>
        %dma_start3A_196 = arith.constant 0 : i32
        %dma_start3A_197 = arith.constant 0 : i32
        %dma_start3A_198 = tpu.memref_slice %arg8[%dma_start3A_196, %dma_start3A_197] : memref<640x64xf32, #tpu.memory_space<vmem>> -> memref<640x64xf32, #tpu.memory_space<vmem>>
        tpu.enqueue_dma source(%dma_start3A_198 : memref<640x64xf32, #tpu.memory_space<vmem>>) target(%dma_start3A_195 : memref<640x64xf32, #tpu.memory_space<hbm>>) target_semaphore(%run_scoped3A : memref<!tpu.dma_semaphore, #tpu.memory_space<semaphore_mem>>)
        %dma_wait3A_199 = arith.constant 0 : i32
        %dma_wait3A_200 = arith.constant 0 : i32
        %dma_wait3A_201 = tpu.memref_slice %arg8[%dma_wait3A_199, %dma_wait3A_200] : memref<640x64xf32, #tpu.memory_space<vmem>> -> memref<640x64xf32, #tpu.memory_space<vmem>>
        %dma_wait3A_202 = arith.constant 0 : i32
        %dma_wait3A_203 = tpu.memref_slice %arg4[%add3A_188, %dma_wait3A_202] : memref<819200x64xf32, #tpu.memory_space<hbm>> -> memref<640x64xf32, #tpu.memory_space<hbm>>
        %dma_wait3A_204 = arith.constant 0 : i32
        %dma_wait3A_205 = tpu.memref_slice %arg4[%add3A_188, %dma_wait3A_204] : memref<819200x64xf32, #tpu.memory_space<hbm>> -> memref<640x64xf32, #tpu.memory_space<hbm>>
        %dma_wait3A_206 = arith.constant 0 : i32
        %dma_wait3A_207 = arith.constant 0 : i32
        %dma_wait3A_208 = tpu.memref_slice %arg8[%dma_wait3A_206, %dma_wait3A_207] : memref<640x64xf32, #tpu.memory_space<vmem>> -> memref<640x64xf32, #tpu.memory_space<vmem>>
        tpu.wait_dma2 semaphore(%run_scoped3A : memref<!tpu.dma_semaphore, #tpu.memory_space<semaphore_mem>>) src(%dma_wait3A_208 : memref<640x64xf32, #tpu.memory_space<vmem>>) dst(%dma_wait3A_205 : memref<640x64xf32, #tpu.memory_space<hbm>>)
        tpu.yield
      }) : () -> ()
    }
    %scan3A_47 = arith.constant 20 : i32
    return
  }
}

</mosaic_0001>

<sc_bundles>
// kernel: kernel.3.cloned.1.call-start
scs
__scs_entry_jumppad:
0x0: {  	(pc) =	sbr.rel $0x88, $3  }
0x1: {  	(tag) =	ssettag $0x0;
	lr =	simm.s32 $0x1  }
0x2: {  	[smem:$0x3F9E] =	sst lr;
	_ =	strace $0xD0000000  }
0x3: {  	_ = 	snop  }
0x4: {  	_ = 	snop  }
0x5: {  	_ = 	snop  }
0x6: {  	_ = 	snop  }
0x7: {  	_ = 	snop  }
__scs_overlays_trampoline_lowered:
0x8: {  	[smem:$0x3FAD] =	sst s0  }
0x9: {  	[smem:$0x3FAE] =	sst s1  }
0xa: {  	[smem:$0x3FAF] =	sst s2  }
0xb: {  	[smem:$0x3FB0] =	sst s3  }
0xc: {  	[smem:$0x3FB1] =	sst s4  }
0xd: {  	[smem:$0x3FB2] =	sst s5  }
0xe: {  	[smem:$0x3FB3] =	sst s6  }
0xf: {  	[smem:$0x3FB4] =	sst s7  }
0x10: {  	[smem:$0x3FB5] =	sst s8  }
0x11: {  	[smem:$0x3FB6] =	sst s9;
	s0 =	simm.s32 @!p0 $0x0  }
0x12: {  	s1 =	sld [smem:$0x3F9C];
	s0 =	simm.s32 @p0 $0x1  }
0x13: {  	[smem:$0x3FB7] =	sst s0;
	s0 =	simm.s32 @!p1 $0x0  }
0x14: {  	s2 =	sld [smem:$0x3F9B];
	s0 =	simm.s32 @p1 $0x1  }
0x15: {  	[smem:$0x3FB8] =	sst s0;
	s0 =	simm.s32 @!p2 $0x0  }
0x16: {  	s3 =	sld [smem:$0x3FDB];
	s0 =	simm.s32 @p2 $0x1  }
0x17: {  	s4 =	simm.s32 $0x1BF5;
	[smem:$0x3FBA] =	sst s0  }
0x18: {  	s0 =	sld [smem:$0x3F9D];
	_ =	swait.ge [sflag:s4], $0x0  }
0x19: {  	s7 =	sld [smem:$0x3F9E]  }
0x1a: {  	s8 =	sadd.s32 $0xFFFFE003, lr  }
0x1b: {  	s9 =	sadd.s32 $0xFFFFFEF7, lr;
	s5 =	simm.s32 $0xFFFFFFFF;
	p2 =	slt.u32 s8, $0xFFFFF086  }
0x1c: {  	p1 =	slt.u32 s9, $0xF7A;
	s5 =	simm.s32 @!p2 $0x0  }
0x1d: {  	s5 =	simm.s32 @p1 $0x1;
	p0 =	seq.s32 s7, s2  }
0x1e: {  	s7 =	smul.u32 @!p0 $0xF7A, s2;
	p2 =	seq.s32 @!p0 s5, $0x0  }
0x1f: {  	s9 =	smul.u32 $0xF7A, s1;
	s8 =	simm.s32 @!p0 $0x1BF5;
	p2 =	por !p2, p0  }
0x20: {  	[sflag:s8] =	ssyncset.s32 @!p0 $0xFFFFF086;
	s6 =	sadd.s32 @!p0 s3, s7;
	s7 =	simm.s32 @!p0 $0x108  }
0x21: {  	s3 =	sadd.s32 s3, s9;
	s6 =	sadd.s32 @!p0 $0x88, s6;
	s7 =	simm.s32 @p2 $0x1082  }
0x22: {  	[simem:s7], [sflag:s8] =	dma.local @!p0 [hbm:s6], $0xF7A  }
0x23: {  	s9 =	sor.u32 $0xD0000000, s2;
	s6 =	simm.s32 $0x108;
	_ =	swait.ge @!p0 [sflag:s8], $0x0  }
0x24: {  	s3 =	sadd.s32 $0x88, s3;
	s6 =	simm.s32 @!p1 $0x1082;
	[sflag:s4] =	ssyncset.s32 $0xFFFFF086  }
0x25: {  	[simem:s6], [sflag:s4] =	dma.local [hbm:s3], $0xF7A  }
0x26: {  	[smem:$0x3F9E] =	sst s1;
	(tag) =	ssettag s2;
	_ =	strace s9  }
0x27: {  	s1 =	sld [smem:$0x3FAE]  }
0x28: {  	s2 =	sld [smem:$0x3FAF]  }
0x29: {  	s4 =	sld [smem:$0x3FB1]  }
0x2a: {  	p0 =	seq.s32 s5, $0x0;
	s5 =	sld [smem:$0x3FB2]  }
0x2b: {  	s6 =	sld [smem:$0x3FB3]  }
0x2c: {  	s7 =	sld [smem:$0x3FB4]  }
0x2d: {  	s3 =	simm.s32 $0x108;
	s8 =	sld [smem:$0x3FB5]  }
0x2e: {  	s3 =	simm.s32 @!p0 $0x1082;
	s9 =	sld [smem:$0x3FB6]  }
0x2f: {  	lr =	sadd.s32 s0, s3;
	s0 =	sld [smem:$0x3FAD]  }
0x30: {  	s3 =	sld [smem:$0x3FB0]  }
0x31: {  	[smem:$0x3FB9] =	sst s10  }
0x32: {  	s10 =	sld [smem:$0x3FB7];
	_ =	sdelay $0x3  }
0x33: {  	p0 =	seq.s32 s10, $0x1;
	s10 =	sld [smem:$0x3FB9];
	_ =	sdelay $0x3  }
0x34: {  	[smem:$0x3FB9] =	sst s10  }
0x35: {  	s10 =	sld [smem:$0x3FB8];
	_ =	sdelay $0x3  }
0x36: {  	p1 =	seq.s32 s10, $0x1;
	s10 =	sld [smem:$0x3FB9];
	_ =	sdelay $0x3  }
0x37: {  	[smem:$0x3FB9] =	sst s10  }
0x38: {  	s10 =	sld [smem:$0x3FBA]  }
0x39: {  	_ = 	snop;
	(pc) =	sbr.ind lr, $3  }
0x3a: {  	_ = 	snop  }
0x3b: {  	_ = 	snop  }
0x3c: {  	p2 =	seq.s32 s10, $0x1;
	s10 =	sld [smem:$0x3FB9]  }
0x3d: {  	_ =	shalt  }
0x3e: {  	_ =	shalt  }
0x3f: {  	_ =	shalt  }
0x40: {  	_ =	shalt  }
0x41: {  	_ =	shalt  }
0x42: {  	_ =	shalt  }
0x43: {  	_ =	shalt  }
0x44: {  	_ =	shalt  }
0x45: {  	_ =	shalt  }
0x46: {  	_ =	shalt  }
0x47: {  	_ =	shalt  }
0x48: {  	_ =	shalt  }
0x49: {  	_ =	shalt  }
0x4a: {  	_ =	shalt  }
0x4b: {  	_ =	shalt  }
0x4c: {  	_ =	shalt  }
0x4d: {  	_ =	shalt  }
0x4e: {  	_ =	shalt  }
0x4f: {  	_ =	shalt  }
0x50: {  	_ =	shalt  }
0x51: {  	_ =	shalt  }
0x52: {  	_ =	shalt  }
0x53: {  	_ =	shalt  }
0x54: {  	_ =	shalt  }
0x55: {  	_ =	shalt  }
0x56: {  	_ =	shalt  }
0x57: {  	_ =	shalt  }
0x58: {  	_ =	shalt  }
0x59: {  	_ =	shalt  }
0x5a: {  	_ =	shalt  }
0x5b: {  	_ =	shalt  }
0x5c: {  	_ =	shalt  }
0x5d: {  	_ =	shalt  }
0x5e: {  	_ =	shalt  }
0x5f: {  	_ =	shalt  }
0x60: {  	_ =	shalt  }
0x61: {  	_ =	shalt  }
0x62: {  	_ =	shalt  }
0x63: {  	_ =	shalt  }
0x64: {  	_ =	shalt  }
0x65: {  	_ =	shalt  }
0x66: {  	_ =	shalt  }
0x67: {  	_ =	shalt  }
0x68: {  	_ =	shalt  }
0x69: {  	_ =	shalt  }
0x6a: {  	_ =	shalt  }
0x6b: {  	_ =	shalt  }
0x6c: {  	_ =	shalt  }
0x6d: {  	_ =	shalt  }
0x6e: {  	_ =	shalt  }
0x6f: {  	_ =	shalt  }
0x70: {  	_ =	shalt  }
0x71: {  	_ =	shalt  }
0x72: {  	_ =	shalt  }
0x73: {  	_ =	shalt  }
0x74: {  	_ =	shalt  }
0x75: {  	_ =	shalt  }
0x76: {  	_ =	shalt  }
0x77: {  	_ =	shalt  }
0x78: {  	_ =	shalt  }
0x79: {  	_ =	shalt  }
0x7a: {  	_ =	shalt  }
0x7b: {  	_ =	shalt  }
0x7c: {  	_ =	shalt  }
0x7d: {  	_ =	shalt  }
0x7e: {  	_ =	shalt  }
0x7f: {  	_ =	shalt  }
0x80: {  	_ =	shalt  }
0x81: {  	_ =	shalt  }
0x82: {  	_ =	shalt  }
0x83: {  	_ =	shalt  }
0x84: {  	_ =	shalt  }
0x85: {  	_ =	shalt  }
0x86: {  	_ =	shalt  }
0x87: {  	_ =	shalt  }
.Lfunc_end0:
.L_simem_size_0:
called_computation.2_lowered:
.L_overlay_start_0:
0x88: {  	s2 =	sld [smem:$0x3FD9]  }
0x89: {  	s3 =	sld [smem:$0x3FFE];
	_ =	sdelay $0x1  }
0x8a: {  	s1 =	srdreg.scid  }
0x8b: {  	s0 =	sand.u32 $0x1, s1  }
0x8c: {  	s17 =	sshll.u32 s0, $0xA;
	s2 =	sadd.s32 s3, s2  }
0x8d: {  	s2 =	sadd.s32 s2, s17  }
0x8e: {  	[smem:$0x3FC5] =	sst s2  }
0x8f: {  	_ = 	snop  }
0x90: {  	s2 =	sld [smem:$0x3FD0];
	(tm) =	ssettm $0x1  }
0x91: {  	s18 =	sld [smem:$0x3FFB];
	_ =	sdelay $0x3  }
0x92: {  	_ =	strace s18  }
0x93: {  	s3 =	sld [smem:$0x3FFC];
	_ =	sdelay $0x3  }
0x94: {  	_ =	strace s3  }
0x95: {  	s3 =	sld [smem:$0x3FFD];
	_ =	sdelay $0x3  }
0x96: {  	_ =	strace s3  }
0x97: {  	_ =	strace $0x8FFFFFFF  }
0x98: {  	s19 =	sld [smem:$0x3FDB];
	_ =	sdelay $0x1  }
0x99: {  	s4 =	simm.s32 $_scs_section_size  }
0x9a: {  	s5 =	simm.s32 $_size__tile_overlayer_lowered;
	s6 =	simm.s32 $_tile_overlayer_lowered  }
0x9b: {  	s22 =	simm.s32 $0x1BFF;
	s21 =	sshll.u32 s6, $0x1;
	s3 =	sadd.s32 s4, s19  }
0x9c: {  	s7 =	simm.s32 $0x0;
	s20 =	sshll.u32 s5, $0x1;
	s5 =	sadd.s32 s21, s3  }
0x9d: {  	[timem:s7], [sflag:s22] =	dma.local [hbm:s5], s20  }
0x9e: {  	_ =	swait.ge [sflag:s22], s20  }
0x9f: {  	s4 =	ssub.s32 $0x0, s20;
	[sflag:s22] =	ssyncset.done $0x0  }
0xa0: {  	[sflag:s22] =	ssyncadd.s32 s4;
	_ =	sdelay $0x1  }
0xa1: {  	s23 =	simm.s32 $0x1B8B  }
0xa2: {  	_ =	swait.ge [sflag:s23], $0x1  }
0xa3: {  	[sflag:s23] =	ssyncset.done $0x0  }
0xa4: {  	s25 =	simm.s32 $0x1B8E;
	s24 =	sld [smem:$0x3FFE];
	[sflag:s23] =	ssyncadd.s32 $0xFFFFFFFF  }
0xa5: {  	s26 =	simm.s32 $execute0_lowered;
	[smem:$0x3FD2] =	sst s25  }
0xa6: {  	s5 =	sshll.u32 s26, $0x1;
	_ =	strace $0x80000049;
	[dreg:$0x1] =	wrdreg $0xFFFFFFFF  }
0xa7: {  	s28 =	simm.s32 $_size_execute0_lowered;
	s3 =	sadd.s32 s3, s5;
	[dreg:$0x0] =	wrdreg $0x0  }
0xa8: {  	s5 =	sshll.u32 s28, $0x1;
	[dreg:$0x2] =	wrdreg s3  }
0xa9: {  	[dreg:$0x3] =	wrdreg s5  }
0xaa: {  	[dreg:$0x4] =	wrdreg $0xC0  }
0xab: {  	_ =	task [dreg:s7], $0x5FFFF  }
0xac: {  	[dreg:$0x1] =	wrdreg $0xFFFFFFFF  }
0xad: {  	[dreg:$0x0] =	wrdreg $0x60  }
0xae: {  	[dreg:$0x2] =	wrdreg s24  }
0xaf: {  	[dreg:$0x3] =	wrdreg s2  }
0xb0: {  	[dreg:$0x4] =	wrdreg $0x9  }
0xb1: {  	_ =	task.clear_ibuf [dreg:s7], $0x5FFFF;
	_ =	strace $0x90000049  }
0xb2: {  	s29 =	simm.s32 $0x9;
	_ =	strace $0x8000004B  }
0xb3: {  	_ =	swait.ge [sflag:s29], $0x1  }
0xb4: {  	[sflag:s29] =	ssyncadd.s32 $0xFFFFFFFF  }
0xb5: {  	_ =	strace $0x9000004B  }
0xb6: {  	_ =	sfence  }
0xb7: {  	s30 =	sld [smem:$0x0];
	_ =	sdelay $0x2  }
0xb8: {  	s31 =	sshll.u32 s1, $0xD;
	s1 =	sshrl.u32 s1, $0x2  }
0xb9: {  	s3 =	sand.u32 $0x4000, s31;
	s1 =	sadd.s32 s1, s30  }
0xba: {  	s0 =	sor.u32 s3, s0;
	s1 =	sshll.u32 s1, $0x11  }
0xbb: {  	s0 =	sor.u32 s1, s0  }
0xbc: {  	s0 =	sadd.s32 $0x8F2B, s0  }
0xbd: {  	[sflag:s0] =	ssyncadd.remote.s32 $0x1  }
0xbe: {  	_ =	sfence.sel $0xFFFF  }
0xbf: {  	[dreg:$0x0] =	wrdreg $0xFFFFFFFF;
	(pc) =	sbr.abs _section_cstart, $3  }
0xc0: {  	[dreg:$0x1] =	wrdreg $0xFFFFFFFF  }
0xc1: {  	_ =	task.clear_ibuf [dreg:s7], $0x2FFFF;
	_ =	strace $0x9FFFFFFF  }
0xc2: {  	(tm) =	ssettm $0x7FFFFFFF  }
0xc3: {  	_ =	shalt  }
tec
execute0_lowered:
.L_overlay_start_1:
0x0: {  	(tag) =	ssettag $0x1  }
0x1: {  	s1 =	srdreg.scid;
	s4 =	rddreg [dreg:$0x0]  }
0x2: {  	s0 =	stileid.u32;
	s8 =	rddreg [dreg:$0x1];
	s2 =	simm.s32 $0x0  }
0x3: {  	s16 =	simm.s32 $0x300;
	s15 =	simm.s32 $0x180;
	s17 =	simm.s32 $0xC500  }
0x4: {  	s18 =	simm.s32 $0x380;
	s19 =	simm.s32 $0xE500;
	s21 =	simm.s32 $0x400  }
0x5: {  	s20 =	simm.s32 $0xA500;
	s22 =	simm.s32 $0x480;
	s23 =	simm.s32 $0x12500  }
0x6: {  	s24 =	simm.s32 $0x1;
	s25 =	simm.s32 $0x2;
	s7 =	sand.u32 $0x1, s1  }
0x7: {  	s26 =	sshll.u32 s0, $0x1;
	[smem:$0x7FF] =	sst s2;
	s6 =	smul.u32 $0xC800, s0  }
0x8: {  	s12 =	smul.u32 $0x64000, s0;
	_ =	strace $0x8000004A;
	[dreg:$0x5] =	wrdreg s16  }
0x9: {  	s3 =	sor.u32 s7, s26;
	s10 =	smul.u32 $0x6400, s7;
	[dreg:$0x6] =	wrdreg s17  }
0xa: {  	s9 =	ssub.s32 $0x2, s7;
	s13 =	smul.u32 $0x32000, s7;
	[dreg:$0x7] =	wrdreg s18  }
0xb: {  	s16 =	simm.s32 $0x6500;
	s17 =	simm.s32 $0x200;
	[dreg:$0x8] =	wrdreg s19  }
0xc: {  	s18 =	simm.s32 $0x8500;
	s19 =	simm.s32 $0x280;
	[dreg:$0x9] =	wrdreg s21  }
0xd: {  	s21 =	simm.s32 $0x10500;
	s26 =	simm.s32 $0x0;
	s5 =	smul.u32 $0x6400, s3  }
0xe: {  	s3 =	sadd.s32 $0x16E4600, s4;
	s4 =	sadd.s32 $0xE00, s4;
	s11 =	sshrl.u32 s9, $0x1  }
0xf: {  	s9 =	ssub.s32 s9, s11;
	s10 =	sadd.s32 s10, s6;
	s11 =	simm.s32 $0x500  }
0x10: {  	s5 =	sshrl.u32 s5, $0x3;
	s28 =	sor.u32 $0x280, s10;
	s6 =	smax.u32 s9, $0x1  }
0x11: {  	s7 =	sadd.s32 $0x500, s10;
	s10 =	simm.s32 $0x80;
	s29 =	sshll.u32 s28, $0x3  }
0x12: {  	s5 =	sadd.s32 s3, s5;
	s9 =	sadd.s32 s29, s8;
	s8 =	sadd.s32 s12, s8  }
0x13: {  	s30 =	sshrl.u32 s28, $0x3;
	[dreg:$0x3] =	wrdreg s9;
	s31 =	sadd.s32 s13, s8  }
0x14: {  	s8 =	sadd.s32 s30, s3;
	s9 =	simm.s32 $0x3;
	[dreg:$0x4] =	wrdreg s31  }
.LBB2_1:
0x15: {  	[tilespmem:s2], [sflag:$0x3] =	stream.linear.gather [hbm4b:s5+s2], $0x280, $0x38;
	[tilespmem:$0x14500] =	vst v63  }
0x16: {  	_ =	swait.ge [sflag:s9], $0x280  }
0x17: {  	[sflag:s9] =	ssyncset.done $0x0  }
0x18: {  	[sflag:s9] =	ssyncadd.s32 $0xFFFFFD80  }
0x19: {  	[tilespmem:s11], [sflag:$0x1] =	stream.indirect.gather [hbm4b:s4+s10], $0x40, s2, s10, $0xb8;
	[tilespmem:$0x14500] =	vst v63  }
0x1a: {  	s0 =	simm.s32 $0x2500  }
0x1b: {  	[tilespmem:s0], [sflag:$0x1] =	stream.indirect.gather [hbm4b:s4+s10], $0x40, s10, s10, $0xb8;
	[tilespmem:$0x14500] =	vst v63  }
0x1c: {  	s31 =	simm.s32 $0x100;
	s1 =	simm.s32 $0x4500  }
0x1d: {  	[tilespmem:s1], [sflag:$0x1] =	stream.indirect.gather [hbm4b:s4+s10], $0x40, s31, s10, $0xb8;
	[tilespmem:$0x14500] =	vst v63  }
0x1e: {  	_ = 	snop  }
0x1f: {  	[tilespmem:s16], [sflag:$0x1] =	stream.indirect.gather [hbm4b:s4+s10], $0x40, s15, s10, $0xb8;
	[tilespmem:$0x14500] =	vst v63  }
0x20: {  	_ = 	snop  }
0x21: {  	[tilespmem:s18], [sflag:$0x1] =	stream.indirect.gather [hbm4b:s4+s10], $0x40, s17, s10, $0xb8;
	[tilespmem:$0x14500] =	vst v63  }
0x22: {  	_ = 	snop  }
0x23: {  	[tilespmem:s19], [sflag:$0x3] =	stream.linear.gather [hbm4b:s8+s2], $0x280, $0x38;
	[tilespmem:$0x14500] =	vst v63  }
0x24: {  	_ =	swait.ge [sflag:s9], $0x280  }
0x25: {  	s28 =	rddreg [dreg:$0x7];
	[sflag:s9] =	ssyncset.done $0x0  }
0x26: {  	s29 =	rddreg [dreg:$0x5];
	[sflag:s9] =	ssyncadd.s32 $0xFFFFFD80  }
0x27: {  	[tilespmem:s20], [sflag:$0x2] =	stream.indirect.gather [hbm4b:s4+s10], $0x40, s19, s10, $0xb8;
	[tilespmem:$0x14500] =	vst v63  }
0x28: {  	s30 =	rddreg [dreg:$0x6]  }
0x29: {  	[tilespmem:s30], [sflag:$0x2] =	stream.indirect.gather [hbm4b:s4+s10], $0x40, s29, s10, $0xb8;
	[tilespmem:$0x14500] =	vst v63  }
0x2a: {  	s31 =	rddreg [dreg:$0x8]  }
0x2b: {  	[tilespmem:s31], [sflag:$0x2] =	stream.indirect.gather [hbm4b:s4+s10], $0x40, s28, s10, $0xb8;
	[tilespmem:$0x14500] =	vst v63  }
0x2c: {  	s29 =	rddreg [dreg:$0x9]  }
0x2d: {  	[tilespmem:s21], [sflag:$0x2] =	stream.indirect.gather [hbm4b:s4+s10], $0x40, s29, s10, $0xb8;
	[tilespmem:$0x14500] =	vst v63  }
0x2e: {  	_ = 	snop  }
0x2f: {  	[tilespmem:s23], [sflag:$0x2] =	stream.indirect.gather [hbm4b:s4+s10], $0x40, s22, s10, $0xb8;
	[tilespmem:$0x14500] =	vst v63  }
0x30: {  	_ =	swait.ge [sflag:s24], $0x2000  }
0x31: {  	[sflag:s24] =	ssyncset.done $0x0  }
0x32: {  	[sflag:s24] =	ssyncadd.s32 $0xFFFFE000  }
0x33: {  	_ =	swait.ge [sflag:s24], $0x2000  }
0x34: {  	[sflag:s24] =	ssyncset.done $0x0  }
0x35: {  	[sflag:s24] =	ssyncadd.s32 $0xFFFFE000  }
0x36: {  	_ =	swait.ge [sflag:s24], $0x2000  }
0x37: {  	[sflag:s24] =	ssyncset.done $0x0  }
0x38: {  	[sflag:s24] =	ssyncadd.s32 $0xFFFFE000  }
0x39: {  	_ =	swait.ge [sflag:s24], $0x2000  }
0x3a: {  	[sflag:s24] =	ssyncset.done $0x0  }
0x3b: {  	[sflag:s24] =	ssyncadd.s32 $0xFFFFE000  }
0x3c: {  	_ =	swait.ge [sflag:s24], $0x2000  }
0x3d: {  	s28 =	rddreg [dreg:$0x4];
	[sflag:s24] =	ssyncset.done $0x0  }
0x3e: {  	[sflag:s24] =	ssyncadd.s32 $0xFFFFE000;
	s28 =	sadd.s32 $0x0, s28  }
0x3f: {  	[hbm4b:s28+s2] =	stream.linear.scatter [tilespmem:s11], [sflag:$0x3], $0xA000, $0x38;
	[tilespmem:$0x14500] =	vst v63  }
0x40: {  	p0 =	por $0x0, $0x0;
	_ =	swait.ge [sflag:s9], $0xA000  }
0x41: {  	s30 =	simm.s32 @!p0 $0x3;
	s28 =	sshrl.u32 @!p0 s7, $0x3;
	[sflag:s9] =	ssyncset.done $0x0  }
0x42: {  	s29 =	simm.s32 @!p0 $0x0;
	s28 =	sadd.s32 @!p0 s3, s28;
	[sflag:s9] =	ssyncadd.s32 $0xFFFF6000  }
0x43: {  	[tilespmem:s29], [sflag:$0x3] =	stream.linear.gather @!p0 [hbm4b:s28+s29], $0x280, $0x38;
	[tilespmem:$0x14500] =	vst v63  }
0x44: {  	_ =	swait.ge @!p0 [sflag:s30], $0x280  }
0x45: {  	[sflag:s30] =	ssyncset.done @!p0 $0x0  }
0x46: {  	s28 =	simm.s32 @!p0 $0x80;
	[sflag:s30] =	ssyncadd.s32 @!p0 $0xFFFFFD80;
	s30 =	simm.s32 @!p0 $0x500  }
0x47: {  	[tilespmem:s30], [sflag:$0x1] =	stream.indirect.gather @!p0 [hbm4b:s4+s28], $0x40, s29, s28, $0xb8;
	[tilespmem:$0x14500] =	vst v63  }
0x48: {  	s29 =	simm.s32 @!p0 $0x2500  }
0x49: {  	[tilespmem:s29], [sflag:$0x1] =	stream.indirect.gather @!p0 [hbm4b:s4+s28], $0x40, s28, s28, $0xb8;
	[tilespmem:$0x14500] =	vst v63  }
0x4a: {  	s30 =	simm.s32 @!p0 $0x4500;
	s29 =	simm.s32 @!p0 $0x100  }
0x4b: {  	[tilespmem:s30], [sflag:$0x1] =	stream.indirect.gather @!p0 [hbm4b:s4+s28], $0x40, s29, s28, $0xb8;
	[tilespmem:$0x14500] =	vst v63  }
0x4c: {  	s29 =	simm.s32 @!p0 $0x180;
	s30 =	simm.s32 @!p0 $0x6500  }
0x4d: {  	[tilespmem:s30], [sflag:$0x1] =	stream.indirect.gather @!p0 [hbm4b:s4+s28], $0x40, s29, s28, $0xb8;
	[tilespmem:$0x14500] =	vst v63  }
0x4e: {  	s29 =	simm.s32 @!p0 $0x200;
	s30 =	simm.s32 @!p0 $0x8500  }
0x4f: {  	[tilespmem:s30], [sflag:$0x1] =	stream.indirect.gather @!p0 [hbm4b:s4+s28], $0x40, s29, s28, $0xb8;
	[tilespmem:$0x14500] =	vst v63  }
0x50: {  	_ =	swait.ge [sflag:s25], $0x2000  }
0x51: {  	[sflag:s25] =	ssyncset.done $0x0  }
0x52: {  	[sflag:s25] =	ssyncadd.s32 $0xFFFFE000  }
0x53: {  	_ =	swait.ge [sflag:s25], $0x2000  }
0x54: {  	[sflag:s25] =	ssyncset.done $0x0  }
0x55: {  	[sflag:s25] =	ssyncadd.s32 $0xFFFFE000  }
0x56: {  	_ =	swait.ge [sflag:s25], $0x2000  }
0x57: {  	[sflag:s25] =	ssyncset.done $0x0  }
0x58: {  	[sflag:s25] =	ssyncadd.s32 $0xFFFFE000  }
0x59: {  	_ =	swait.ge [sflag:s25], $0x2000  }
0x5a: {  	[sflag:s25] =	ssyncset.done $0x0  }
0x5b: {  	[sflag:s25] =	ssyncadd.s32 $0xFFFFE000  }
0x5c: {  	_ =	swait.ge [sflag:s25], $0x2000  }
0x5d: {  	s28 =	rddreg [dreg:$0x3];
	[sflag:s25] =	ssyncset.done $0x0  }
0x5e: {  	[sflag:s25] =	ssyncadd.s32 $0xFFFFE000;
	s28 =	sadd.s32 $0x0, s28  }
0x5f: {  	[hbm4b:s28+s2] =	stream.linear.scatter [tilespmem:s20], [sflag:$0x3], $0xA000, $0x38;
	[tilespmem:$0x14500] =	vst v63  }
0x60: {  	s29 =	sadd.s32 $0xA0, s8;
	s30 =	smov.u32 s7;
	s28 =	simm.s32 $0x2800  }
.LBB2_2:
0x61: {  	_ =	swait.ge [sflag:s9], $0xA000  }
0x62: {  	[sflag:s9] =	ssyncset.done $0x0  }
0x63: {  	[sflag:s9] =	ssyncadd.s32 $0xFFFF6000  }
0x64: {  	[tilespmem:s19], [sflag:$0x3] =	stream.linear.gather [hbm4b:s29+s2], $0x280, $0x38;
	[tilespmem:$0x14500] =	vst v63  }
0x65: {  	_ =	swait.ge [sflag:s9], $0x280  }
0x66: {  	s1 =	rddreg [dreg:$0x7];
	[sflag:s9] =	ssyncset.done $0x0  }
0x67: {  	s0 =	rddreg [dreg:$0x5];
	[sflag:s9] =	ssyncadd.s32 $0xFFFFFD80  }
0x68: {  	[tilespmem:s20], [sflag:$0x2] =	stream.indirect.gather [hbm4b:s4+s10], $0x40, s19, s10, $0xb8;
	[tilespmem:$0x14500] =	vst v63  }
0x69: {  	s12 =	rddreg [dreg:$0x6]  }
0x6a: {  	[tilespmem:s12], [sflag:$0x2] =	stream.indirect.gather [hbm4b:s4+s10], $0x40, s0, s10, $0xb8;
	[tilespmem:$0x14500] =	vst v63  }
0x6b: {  	s13 =	rddreg [dreg:$0x8]  }
0x6c: {  	[tilespmem:s13], [sflag:$0x2] =	stream.indirect.gather [hbm4b:s4+s10], $0x40, s1, s10, $0xb8;
	[tilespmem:$0x14500] =	vst v63  }
0x6d: {  	s12 =	rddreg [dreg:$0x9]  }
0x6e: {  	[tilespmem:s21], [sflag:$0x2] =	stream.indirect.gather [hbm4b:s4+s10], $0x40, s12, s10, $0xb8;
	[tilespmem:$0x14500] =	vst v63  }
0x6f: {  	_ = 	snop  }
0x70: {  	[tilespmem:s23], [sflag:$0x2] =	stream.indirect.gather [hbm4b:s4+s10], $0x40, s22, s10, $0xb8;
	[tilespmem:$0x14500] =	vst v63  }
0x71: {  	_ =	swait.ge [sflag:s24], $0x2000  }
0x72: {  	[sflag:s24] =	ssyncset.done $0x0  }
0x73: {  	[sflag:s24] =	ssyncadd.s32 $0xFFFFE000  }
0x74: {  	_ =	swait.ge [sflag:s24], $0x2000  }
0x75: {  	[sflag:s24] =	ssyncset.done $0x0  }
0x76: {  	[sflag:s24] =	ssyncadd.s32 $0xFFFFE000  }
0x77: {  	_ =	swait.ge [sflag:s24], $0x2000  }
0x78: {  	[sflag:s24] =	ssyncset.done $0x0  }
0x79: {  	[sflag:s24] =	ssyncadd.s32 $0xFFFFE000  }
0x7a: {  	_ =	swait.ge [sflag:s24], $0x2000  }
0x7b: {  	[sflag:s24] =	ssyncset.done $0x0  }
0x7c: {  	[sflag:s24] =	ssyncadd.s32 $0xFFFFE000  }
0x7d: {  	_ =	swait.ge [sflag:s24], $0x2000  }
0x7e: {  	s31 =	smov.u32 s28;
	s13 =	rddreg [dreg:$0x4];
	[sflag:s24] =	ssyncset.done $0x0  }
0x7f: {  	[sflag:s24] =	ssyncadd.s32 $0xFFFFE000;
	s0 =	sadd.s32 s31, s13  }
0x80: {  	[hbm4b:s0+s2] =	stream.linear.scatter [tilespmem:s11], [sflag:$0x3], $0xA000, $0x38;
	[tilespmem:$0x14500] =	vst v63  }
0x81: {  	s30 =	sadd.s32 $0x500, s30;
	p1 =	seq.s32 s31, $0x2F800;
	_ =	swait.ge [sflag:s9], $0xA000  }
0x82: {  	s1 =	simm.s32 @!p1 $0x0;
	s0 =	sshrl.u32 @!p1 s30, $0x3;
	[sflag:s9] =	ssyncset.done $0x0  }
0x83: {  	s12 =	simm.s32 @!p1 $0x3;
	s0 =	sadd.s32 @!p1 s3, s0;
	[sflag:s9] =	ssyncadd.s32 $0xFFFF6000  }
0x84: {  	[tilespmem:s1], [sflag:$0x3] =	stream.linear.gather @!p1 [hbm4b:s0+s1], $0x280, $0x38;
	[tilespmem:$0x14500] =	vst v63  }
0x85: {  	_ =	swait.ge @!p1 [sflag:s12], $0x280  }
0x86: {  	[sflag:s12] =	ssyncset.done @!p1 $0x0  }
0x87: {  	s13 =	simm.s32 @!p1 $0x500;
	s0 =	simm.s32 @!p1 $0x80;
	[sflag:s12] =	ssyncadd.s32 @!p1 $0xFFFFFD80  }
0x88: {  	[tilespmem:s13], [sflag:$0x1] =	stream.indirect.gather @!p1 [hbm4b:s4+s0], $0x40, s1, s0, $0xb8;
	[tilespmem:$0x14500] =	vst v63  }
0x89: {  	s12 =	simm.s32 @!p1 $0x2500  }
0x8a: {  	[tilespmem:s12], [sflag:$0x1] =	stream.indirect.gather @!p1 [hbm4b:s4+s0], $0x40, s0, s0, $0xb8;
	[tilespmem:$0x14500] =	vst v63  }
0x8b: {  	s1 =	simm.s32 @!p1 $0x100;
	s13 =	simm.s32 @!p1 $0x4500  }
0x8c: {  	[tilespmem:s13], [sflag:$0x1] =	stream.indirect.gather @!p1 [hbm4b:s4+s0], $0x40, s1, s0, $0xb8;
	[tilespmem:$0x14500] =	vst v63  }
0x8d: {  	s14 =	simm.s32 @!p1 $0x6500;
	s12 =	simm.s32 @!p1 $0x180  }
0x8e: {  	[tilespmem:s14], [sflag:$0x1] =	stream.indirect.gather @!p1 [hbm4b:s4+s0], $0x40, s12, s0, $0xb8;
	[tilespmem:$0x14500] =	vst v63  }
0x8f: {  	s1 =	simm.s32 @!p1 $0x200;
	s13 =	simm.s32 @!p1 $0x8500  }
0x90: {  	[tilespmem:s13], [sflag:$0x1] =	stream.indirect.gather @!p1 [hbm4b:s4+s0], $0x40, s1, s0, $0xb8;
	[tilespmem:$0x14500] =	vst v63  }
0x91: {  	_ =	swait.ge [sflag:s25], $0x2000  }
0x92: {  	[sflag:s25] =	ssyncset.done $0x0  }
0x93: {  	[sflag:s25] =	ssyncadd.s32 $0xFFFFE000  }
0x94: {  	_ =	swait.ge [sflag:s25], $0x2000  }
0x95: {  	[sflag:s25] =	ssyncset.done $0x0  }
0x96: {  	[sflag:s25] =	ssyncadd.s32 $0xFFFFE000  }
0x97: {  	_ =	swait.ge [sflag:s25], $0x2000  }
0x98: {  	[sflag:s25] =	ssyncset.done $0x0  }
0x99: {  	[sflag:s25] =	ssyncadd.s32 $0xFFFFE000  }
0x9a: {  	s28 =	sadd.s32 $0x2800, s28;
	_ =	swait.ge [sflag:s25], $0x2000  }
0x9b: {  	p0 =	sne.s32 s28, $0x32000;
	[sflag:s25] =	ssyncset.done $0x0  }
.Ltmp0:
0x9c: {  	[sflag:s25] =	ssyncadd.s32 $0xFFFFE000;
	(pc) =	sbr.rel @p0 .LBB2_2-.Ltmp0, $4  }
0x9d: {  	_ =	swait.ge [sflag:s25], $0x2000  }
0x9e: {  	s14 =	rddreg [dreg:$0x3];
	[sflag:s25] =	ssyncset.done $0x0  }
0x9f: {  	s29 =	sadd.s32 $0xA0, s29;
	[sflag:s25] =	ssyncadd.s32 $0xFFFFE000;
	s0 =	sadd.s32 s31, s14  }
0xa0: {  	[hbm4b:s0+s2] =	stream.linear.scatter [tilespmem:s20], [sflag:$0x3], $0xA000, $0x38;
	[tilespmem:$0x14500] =	vst v63  }
0xa1: {  	s26 =	sadd.s32 $0x1, s26  }
0xa2: {  	p0 =	sne.s32 s26, s6  }
.Ltmp1:
0xa3: {  	_ = 	snop;
	(pc) =	sbr.rel @p0 .LBB2_1-.Ltmp1, $4  }
0xa4: {  	_ = 	snop  }
0xa5: {  	_ =	swait.ge [sflag:s9], $0xA000  }
0xa6: {  	[sflag:s9] =	ssyncset.done $0x0  }
0xa7: {  	[sflag:s9] =	ssyncadd.s32 $0xFFFF6000  }
0xa8: {  	_ =	sfence.sel $0x180000  }
0xa9: {  	[bflag:$0x0] =	sbarrier.arrive $0xFFFF  }
0xaa: {  	_ =	strace $0x9000004A  }
0xab: {  	s0 =	stileid.u32;
	[bflag:$0x2] =	sbarrier.arrive $0xFFFF  }
0xac: {  	p0 =	sne.s32 s0, $0x0;
	s0 =	rddreg [dreg:$0x2]  }
0xad: {  	s0 =	sadd.s32 @!p0 $0x100000, s0  }
0xae: {  	[sflag:s0] =	ssyncadd.tile.s32 @!p0 $0x1;
	_ =	shalt  }
.Lfunc_end2:
_tile_overlayer_lowered:
.L_overlay_start_2:
0xaf: {  	(tag) =	ssettag $0x2  }
0xb0: {  	s0 =	rddreg [dreg:$0x0];
	s2 =	stileid.u32  }
0xb1: {  	s1 =	rddreg [dreg:$0x1];
	p0 =	sne.s32 s2, $0x0  }
0xb2: {  	s3 =	rddreg [dreg:$0x2];
	[bflag:$0x3] =	sbarrier.arrive $0xFFFF;
	s2 =	simm.s32 @!p0 $0x1C03  }
0xb3: {  	[timem:s3], [sflag:s2] =	dma.local @!p0 [hbm:s0], s1  }
0xb4: {  	s0 =	simm.s32 @!p0 $0x3  }
0xb5: {  	_ =	swait.ge @!p0 [sflag:s0], s1  }
0xb6: {  	s1 =	ssub.s32 @!p0 $0x0, s1;
	[sflag:s0] =	ssyncset.done @!p0 $0x0  }
0xb7: {  	[sflag:s0] =	ssyncadd.s32 @!p0 s1  }
0xb8: {  	[bflag:$0x3] =	sbarrier.arrive $0xFFFF  }
0xb9: {  	_ =	shalt  }

// kernel: sparse-core-data-format-call.1.cloned.1.call-start
scs
called_computation.1_lowered:
.L_overlay_start_0:
0x0: {  	s1 =	sld [smem:$0x3FD9]  }
0x1: {  	s2 =	sld [smem:$0x3FFE];
	_ =	sdelay $0x1  }
0x2: {  	s3 =	srdreg.scid  }
0x3: {  	s0 =	sand.u32 $0x1, s3  }
0x4: {  	s17 =	sshll.u32 s0, $0xA;
	s1 =	sadd.s32 s2, s1  }
0x5: {  	s1 =	sadd.s32 s1, s17  }
0x6: {  	[smem:$0x3FC5] =	sst s1  }
0x7: {  	_ = 	snop  }
0x8: {  	(tm) =	ssettm $0x1  }
0x9: {  	s18 =	sld [smem:$0x3FFB];
	_ =	sdelay $0x3  }
0xa: {  	_ =	strace s18  }
0xb: {  	s1 =	sld [smem:$0x3FFC];
	_ =	sdelay $0x3  }
0xc: {  	_ =	strace s1  }
0xd: {  	s1 =	sld [smem:$0x3FFD];
	_ =	sdelay $0x3  }
0xe: {  	_ =	strace s1  }
0xf: {  	_ =	strace $0x8FFFFFFF  }
0x10: {  	s19 =	sld [smem:$0x3FDB];
	_ =	sdelay $0x1  }
0x11: {  	s20 =	simm.s32 $_scs_section_size  }
0x12: {  	s4 =	simm.s32 $_size__tile_overlayer_lowered;
	s5 =	simm.s32 $_tile_overlayer_lowered  }
0x13: {  	s23 =	simm.s32 $0x1BFF;
	s22 =	sshll.u32 s5, $0x1;
	s1 =	sadd.s32 s20, s19  }
0x14: {  	s6 =	simm.s32 $0x0;
	s21 =	sshll.u32 s4, $0x1;
	s4 =	sadd.s32 s22, s1  }
0x15: {  	[timem:s6], [sflag:s23] =	dma.local [hbm:s4], s21  }
0x16: {  	_ =	swait.ge [sflag:s23], s21  }
0x17: {  	s2 =	ssub.s32 $0x0, s21;
	[sflag:s23] =	ssyncset.done $0x0  }
0x18: {  	[sflag:s23] =	ssyncadd.s32 s2;
	_ =	sdelay $0x1  }
0x19: {  	s24 =	simm.s32 $0x1B8B  }
0x1a: {  	_ =	swait.ge [sflag:s24], $0x1  }
0x1b: {  	[sflag:s24] =	ssyncset.done $0x0  }
0x1c: {  	s26 =	simm.s32 $0x1B8E;
	s25 =	sld [smem:$0x3FFE];
	[sflag:s24] =	ssyncadd.s32 $0xFFFFFFFF  }
0x1d: {  	s27 =	simm.s32 $execute0_lowered;
	[smem:$0x3FD2] =	sst s26  }
0x1e: {  	s4 =	sshll.u32 s27, $0x1;
	_ =	strace $0x80000046;
	[dreg:$0x1] =	wrdreg $0xFFFFFFFF  }
0x1f: {  	s28 =	simm.s32 $_size_execute0_lowered;
	s1 =	sadd.s32 s1, s4;
	[dreg:$0x0] =	wrdreg $0x0  }
0x20: {  	s4 =	sshll.u32 s28, $0x1;
	[dreg:$0x2] =	wrdreg s1  }
0x21: {  	[dreg:$0x3] =	wrdreg s4  }
0x22: {  	[dreg:$0x4] =	wrdreg $0xC0  }
0x23: {  	_ =	task [dreg:s6], $0x5FFFF  }
0x24: {  	[dreg:$0x1] =	wrdreg $0xFFFFFFFF  }
0x25: {  	[dreg:$0x0] =	wrdreg $0x60  }
0x26: {  	[dreg:$0x2] =	wrdreg s25  }
0x27: {  	[dreg:$0x3] =	wrdreg $0x9  }
0x28: {  	_ =	task.clear_ibuf [dreg:s6], $0x4FFFF;
	_ =	strace $0x90000046  }
0x29: {  	s29 =	simm.s32 $0x9;
	_ =	strace $0x80000048  }
0x2a: {  	_ =	swait.ge [sflag:s29], $0x1  }
0x2b: {  	[sflag:s29] =	ssyncadd.s32 $0xFFFFFFFF  }
0x2c: {  	_ =	strace $0x90000048  }
0x2d: {  	_ =	sfence  }
0x2e: {  	s30 =	sld [smem:$0x0];
	_ =	sdelay $0x2  }
0x2f: {  	s31 =	sshll.u32 s3, $0xD;
	s3 =	sshrl.u32 s3, $0x2  }
0x30: {  	s2 =	sand.u32 $0x4000, s31;
	s1 =	sadd.s32 s3, s30  }
0x31: {  	s0 =	sor.u32 s2, s0;
	s1 =	sshll.u32 s1, $0x11  }
0x32: {  	s0 =	sor.u32 s1, s0  }
0x33: {  	s0 =	sadd.s32 $0x8F2B, s0  }
0x34: {  	[sflag:s0] =	ssyncadd.remote.s32 $0x1  }
0x35: {  	_ =	sfence.sel $0xFFFF  }
0x36: {  	[dreg:$0x0] =	wrdreg $0xFFFFFFFF;
	(pc) =	sbr.abs _section_cstart, $3  }
0x37: {  	[dreg:$0x1] =	wrdreg $0xFFFFFFFF  }
0x38: {  	_ =	task.clear_ibuf [dreg:s6], $0x2FFFF;
	_ =	strace $0x9FFFFFFF  }
0x39: {  	(tm) =	ssettm $0x7FFFFFFF  }
tec
execute0_lowered:
.L_overlay_start_1:
0x0: {  	(tag) =	ssettag $0x1  }
0x1: {  	s0 =	srdreg.scid  }
0x2: {  	s5 =	rddreg [dreg:$0x0];
	s1 =	stileid.u32;
	s4 =	simm.s32 $0x1  }
0x3: {  	s6 =	simm.s32 $0x2;
	s15 =	simm.s32 $0x0;
	p0 =	por $0x0, $0x0  }
0x4: {  	s8 =	simm.s32 $0x80;
	s14 =	simm.s32 $0x0;
	s2 =	sshll.u32 s0, $0x4  }
0x5: {  	s9 =	simm.s32 $0x0;
	s10 =	simm.s32 $0x0;
	s2 =	sand.u32 $0x10, s2  }
.Ltmp0:
0x6: {  	s12 =	simm.s32 $0x0;
	s3 =	sor.u32 s1, s2;
	(pc) =	sbr.rel .LBB1_1-.Ltmp0, $4  }
0x7: {  	s0 =	rddreg [dreg:$0x1];
	_ =	strace $0x80000047;
	s3 =	sshll.u32 s3, $0x7  }
0x8: {  	s13 =	simm.s32 $0x0;
	[sflag:s4] =	ssyncpa.u1 $0x0;
	s7 =	ssub.s32 $0xF4200, s3  }
0x9: {  	s2 =	sadd.s32 $0xE00, s5;
	[sflag:s6] =	ssyncpa.u1 $0x0;
	s6 =	sshrl.u32 s7, $0xC  }
0xa: {  	s5 =	sadd.s32 $0x7A2200, s5;
	s11 =	smov.u32 s3;
	s7 =	sadd.s32 $0x2, s6  }
.LBB1_5:
0xb: {  	p1 =	slt.u32 s13, $0x2  }
0xc: {  	s17 =	smov.u32 s15;
	p2 =	sgt.s32 @!p1 s15, $0xF41C0;
	s16 =	sshra.s32 @!p1 s15, $0x1F  }
0xd: {  	p3 =	sgt.s32 @!p1 s14, $0x40;
	s18 =	sshra.s32 @!p1 s14, $0x1F;
	p2 =	por !p2, p1  }
0xe: {  	s15 =	sand.u32 @!p1 s16, s15;
	p3 =	por !p3, p1;
	s16 =	smov.u32 s14  }
0xf: {  	s14 =	sand.u32 @!p1 s18, s14;
	s17 =	simm.s32 @p2 $0xF41C0;
	s16 =	simm.s32 @p3 $0x40  }
0x10: {  	s15 =	ssub.s32 @!p1 s17, s15;
	s14 =	ssub.s32 @!p1 s16, s14  }
0x11: {  	s18 =	smov.u32 s12;
	s16 =	sadd.s32 @!p1 $0xFFF0BE40, s15;
	s17 =	sadd.s32 @!p1 $0xFFFFFFC0, s14  }
0x12: {  	s15 =	ssub.s32 @!p1 $0xF4240, s15;
	p2 =	sgt.s32 @!p1 s16, $0x7F;
	p3 =	sgt.s32 @!p1 s17, $0x3F  }
0x13: {  	s14 =	ssub.s32 @!p1 $0x80, s14;
	p2 =	por !p2, p1;
	p3 =	por !p3, p1  }
0x14: {  	s16 =	sadd.s32 $0x1000, s11;
	s15 =	simm.s32 @!p2 $0x0;
	s14 =	simm.s32 @!p3 $0x0  }
0x15: {  	p2 =	sgt.s32 s16, $0xF423F;
	s14 =	smul.u32 @!p1 s14, s15;
	s15 =	sadd.s32 $0x40, s12  }
0x16: {  	s18 =	smov.u32 @p2 s15  }
0x17: {  	s16 =	smov.u32 @p2 s3;
	p2 =	sgt.s32 s18, $0x3F  }
0x18: {  	s18 =	simm.s32 @p2 $0x0;
	p2 =	sne.s32 s13, s7  }
.Ltmp1:
0x19: {  	p0 =	por !p0, !p0;
	s17 =	simm.s32 @!p1 $0x2;
	(pc) =	sbr.rel @!p2 .LBB1_6-.Ltmp1, $4  }
0x1a: {  	s15 =	smov.u32 s9;
	s9 =	smov.u32 s11;
	s14 =	sand.u32 @!p1 $0x3FFFFFFF, s14  }
0x1b: {  	s11 =	smov.u32 s16;
	_ =	swait.ge @!p1 [sflag:s17], s14;
	s19 =	ssub.s32 @!p1 $0x0, s14  }
0x1c: {  	s14 =	smov.u32 s10;
	s13 =	sadd.s32 $0x1, s13;
	[sflag:s17] =	ssyncset.done @!p1 $0x0  }
0x1d: {  	s10 =	smov.u32 s12;
	s12 =	smov.u32 s18;
	[sflag:s17] =	ssyncadd.s32 @!p1 s19  }
.LBB1_1:
0x1e: {  	p1 =	sgt.u32 s13, s6  }
0x1f: {  	s16 =	sshrl.u32 @!p1 s12, $0x3  }
0x20: {  	s17 =	sshll.u32 @!p1 s11, $0x3;
	s16 =	smul.u32 @!p1 $0x7A1400, s16  }
0x21: {  	s18 =	sshll.u32 @!p1 s12, $0x7;
	s17 =	sand.u32 @!p1 $0xFFFFFC00, s17  }
0x22: {  	s16 =	sadd.s32 @!p1 s16, s17;
	s17 =	sand.u32 @!p1 $0x380, s18  }
0x23: {  	s18 =	sand.u32 @!p1 $0x7F, s11;
	s16 =	sor.u32 @!p1 s17, s16  }
0x24: {  	s17 =	sor.u32 @!p1 s18, s16  }
0x25: {  	s18 =	smulhi.u32 @!p1 $0x218D6287, s17;
	_ =	sdelay $0x1  }
0x26: {  	s16 =	smulhi.u32 @!p1 $0x218D6287, s16;
	s18 =	sshrl.u32 @!p1 s18, $0x11  }
0x27: {  	s18 =	smul.u32 @!p1 $0xF4280, s18  }
0x28: {  	s19 =	sxor.u32 @!p1 $0xFFFFFFFF, s13;
	s16 =	sshrl.u32 @!p1 s16, $0x11  }
0x29: {  	s19 =	sshll.u32 @!p1 s19, $0xD;
	s16 =	sand.u32 @!p1 $0x3F, s16;
	s17 =	ssub.s32 @!p1 s17, s18  }
0x2a: {  	s16 =	smul.u32 @!p1 $0x1E850, s16;
	s18 =	sshrl.u32 @!p1 s17, $0x3;
	s17 =	sand.u32 @!p1 $0x7, s17  }
0x2b: {  	s19 =	sand.u32 @!p1 $0x2000, s19;
	s18 =	sadd.s32 @!p1 s2, s18;
	s17 =	sshll.u32 @!p1 s17, $0x12  }
0x2c: {  	s16 =	sadd.s32 @!p1 s16, s18;
	s17 =	sor.u32 @!p1 $0x400, s17;
	s18 =	simm.s32 @!p1 $0x7A1400  }
0x2d: {  	[tilespmem:s19], [sflag:$0x1] =	stream.strided.gather @!p1 [hbm4b:s16+s17], $0x2000, s18, s17, $0x38;
	[tilespmem:$0x8100] =	vst v63  }
0x2e: {  	p1 =	seq.s32 s13, $0x0  }
0x2f: {  	p2 =	sge.u32 @!p1 s13, s7  }
0x30: {  	p1 =	por p1, p2  }
.Ltmp2:
0x31: {  	_ = 	snop;
	(pc) =	sbr.rel @p1 .LBB1_5-.Ltmp2, $1  }
0x32: {  	_ =	sdelay $0x3  }
0x33: {  	s16 =	simm.s32 $0x1  }
0x34: {  	_ =	swait.ge [sflag:s4], $0x2000;
	s16 =	simm.s32 @!p0 $0x0  }
0x35: {  	[sflag:s4] =	ssyncset.done $0x0;
	s17 =	sshll.u32 s16, $0xD  }
0x36: {  	[sflag:s4] =	ssyncadd.s32 $0xFFFFE000;
	s17 =	sor.u32 $0x40, s17  }
0x37: {  	s16 =	smul.u32 $0x8200, s16;
	v0 =	vld [tilespmem:s17+$0x30]  }
0x38: {  	v1 =	vld [tilespmem:s17+$0xFFFFFFD0]  }
0x39: {  	s16 =	sshrl.u32 s16, $0x2;
	v5 =	vld [tilespmem:s17+$0xFFFFFFE0]  }
0x3a: {  	v6 =	vld [tilespmem:s17+$0xFFFFFFF0];
	s19 =	sor.u32 $0x4000, s16  }
0x3b: {  	s31 =	sand.u32 $0x1, s13;
	v4 =	vld [tilespmem:s17+$0x0];
	s18 =	sadd.s32 $0x0, s19  }
0x3c: {  	v3 =	vld [tilespmem:s17+$0x10];
	s16 =	smul.u32 $0x8200, s31;
	[tilespmem:s18+$0x1C70 ss:$0x41] =	vst.msk $0xffff, v0  }
0x3d: {  	v2 =	vld [tilespmem:s17+$0x20];
	[tilespmem:s18+$0x410 ss:$0x41] =	vst.msk $0xffff, v1  }
0x3e: {  	s16 =	sshrl.u32 s16, $0x2;
	v1 =	vld [tilespmem:s17+$0xFFFFFFC0];
	[tilespmem:s18+$0x820 ss:$0x41] =	vst.msk $0xffff, v5;
	s17 =	sadd.s32 $0x80, s17  }
0x3f: {  	s20 =	simm.s32 $0x4;
	s21 =	simm.s32 $0x8;
	s16 =	sor.u32 $0x4000, s16;
	[tilespmem:s18+$0xC30 ss:$0x41] =	vst.msk $0xffff, v6;
	v0 =	vld [tilespmem:s17+$0x30]  }
.LBB1_3:
0x40: {  	p1 =	sne.s32 s21, $0xFC;
	v5 =	vld [tilespmem:s17+$0xFFFFFFD0];
	[tilespmem:s18+$0x1040 ss:$0x41] =	vst.msk $0xffff, v4  }
0x41: {  	v6 =	vld [tilespmem:s17+$0xFFFFFFE0];
	[tilespmem:s18+$0x1450 ss:$0x41] =	vst.msk $0xffff, v3  }
0x42: {  	s22 =	sshra.s32 s20, $0x2;
	s20 =	smov.u32 s21;
	v7 =	vld [tilespmem:s17+$0xFFFFFFF0];
	[tilespmem:s18+$0x1860 ss:$0x41] =	vst.msk $0xffff, v2  }
.Ltmp3:
0x43: {  	v4 =	vld [tilespmem:s17+$0x0];
	[tilespmem:s18+$0x0 ss:$0x41] =	vst.msk $0xffff, v1;
	s18 =	sadd.s32 s22, s19;
	(pc) =	sbr.rel @p1 .LBB1_3-.Ltmp3, $4  }
0x44: {  	v3 =	vld [tilespmem:s17+$0x10];
	[tilespmem:s18+$0x1C70 ss:$0x41] =	vst.msk $0xffff, v0  }
0x45: {  	[tilespmem:s18+$0x410 ss:$0x41] =	vst.msk $0xffff, v5;
	v2 =	vld [tilespmem:s17+$0x20]  }
0x46: {  	v1 =	vld [tilespmem:s17+$0xFFFFFFC0];
	[tilespmem:s18+$0x820 ss:$0x41] =	vst.msk $0xffff, v6;
	s17 =	sadd.s32 $0x80, s17  }
0x47: {  	s21 =	sadd.s32 $0x4, s21;
	v0 =	vld [tilespmem:s17+$0x30];
	[tilespmem:s18+$0xC30 ss:$0x41] =	vst.msk $0xffff, v7  }
0x48: {  	s21 =	sshll.u32 s9, $0x7;
	s22 =	sshll.u32 s10, $0x3;
	s20 =	sshra.s32 s20, $0x2  }
0x49: {  	p1 =	sgt.s32 s9, $0xF41C0;
	s30 =	sshra.s32 s9, $0x1F;
	s25 =	sshra.s32 s10, $0x1F  }
0x4a: {  	v5 =	vld [tilespmem:s17+$0xFFFFFFD0];
	s28 =	sshrl.u32 s10, $0x3;
	s23 =	sand.u32 $0xFFFFFC00, s21;
	s22 =	sand.u32 $0xFFFFFC00, s22  }
0x4b: {  	[tilespmem:s18+$0x1040 ss:$0x41] =	vst.msk $0xffff, v4;
	v58 =	vld [tilespmem:s17+$0xFFFFFFE0];
	s21 =	sand.u32 $0x380, s21;
	s19 =	sadd.s32 s20, s19;
	s22 =	sadd.s32 s22, s23  }
0x4c: {  	v59 =	vld [tilespmem:s17+$0xFFFFFFF0];
	[tilespmem:s18+$0x1450 ss:$0x41] =	vst.msk $0xffff, v3;
	s29 =	sor.u32 s21, s22;
	s21 =	smov.u32 s9;
	s22 =	sand.u32 s30, s9  }
0x4d: {  	v60 =	vld [tilespmem:s17+$0x0];
	[tilespmem:s18+$0x1860 ss:$0x41] =	vst.msk $0xffff, v2;
	s30 =	sand.u32 $0x7, s10;
	s20 =	sshrl.u32 s29, $0x7;
	s21 =	simm.s32 @!p1 $0xF41C0  }
0x4e: {  	v61 =	vld [tilespmem:s17+$0x10];
	[tilespmem:s18+$0x0 ss:$0x41] =	vst.msk $0xffff, v1;
	p1 =	sgt.s32 s10, $0x40;
	s24 =	ssub.s32 s21, s22;
	s21 =	smov.u32 s10  }
0x4f: {  	v62 =	vld [tilespmem:s17+$0x20];
	[tilespmem:s19+$0x1C70 ss:$0x41] =	vst.msk $0xffff, v0;
	s31 =	smulhi.u32 $0x218DEF5, s20;
	s22 =	sand.u32 s25, s10;
	s21 =	simm.s32 @!p1 $0x40  }
0x50: {  	v63 =	vld [tilespmem:s17+$0xFFFFFFC0];
	[tilespmem:s19+$0x410 ss:$0x41] =	vst.msk $0xffff, v5;
	s26 =	sadd.s32 $0xFFF0BE40, s24;
	s17 =	ssub.s32 $0xF4240, s24;
	s21 =	ssub.s32 s21, s22  }
0x51: {  	[tilespmem:s19+$0x820 ss:$0x41] =	vst.msk $0xffff, v58;
	s23 =	sshrl.u32 s31, $0xD;
	p1 =	sgt.s32 s26, $0x7F;
	s27 =	sadd.s32 $0xFFFFFFC0, s21  }
0x52: {  	[tilespmem:s19+$0xC30 ss:$0x41] =	vst.msk $0xffff, v59;
	s23 =	smul.u32 $0xF4240, s23;
	s18 =	ssub.s32 $0x80, s21;
	p2 =	sgt.s32 s27, $0x3F  }
.Ltmp4:
0x53: {  	[tilespmem:s19+$0x1040 ss:$0x41] =	vst.msk $0xffff, v60;
	s17 =	simm.s32 @p1 $0x0;
	s18 =	simm.s32 @p2 $0x0;
	(pc) =	sbr.rel .LBB1_5-.Ltmp4, $4  }
0x54: {  	s29 =	sand.u32 $0xF, s28;
	[tilespmem:s19+$0x1450 ss:$0x41] =	vst.msk $0xffff, v61;
	s20 =	ssub.s32 s20, s23;
	s17 =	smul.u32 s18, s17  }
0x55: {  	[tilespmem:s19+$0x1860 ss:$0x41] =	vst.msk $0xffff, v62;
	s21 =	sshll.u32 s30, $0x12;
	s20 =	sshll.u32 s20, $0x4;
	s18 =	sadd.s32 s5, s29  }
0x56: {  	[tilespmem:s19+$0x0 ss:$0x41] =	vst.msk $0xffff, v63;
	s31 =	sor.u32 $0x40, s21;
	s18 =	sadd.s32 s20, s18;
	s17 =	sand.u32 $0x3FFFFFFF, s17  }
0x57: {  	[hbm4b:s18+s31] =	stream.strided.scatter [tilespmem:s16], [sflag:$0x2], s17, s8, s31, $0x18;
	[tilespmem:$0x8100] =	vst v63  }
.LBB1_6:
0x58: {  	_ =	sfence.sel $0x180000  }
0x59: {  	s2 =	simm.s32 $0x1;
	[bflag:$0x0] =	sbarrier.arrive $0xFFFF  }
0x5a: {  	s31 =	simm.s32 $0x2;
	[sflag:s2] =	ssyncpa.u1 $0x1  }
0x5b: {  	[sflag:s31] =	ssyncpa.u1 $0x1  }
0x5c: {  	p0 =	sne.s32 s1, $0x0;
	_ =	strace $0x90000047  }
0x5d: {  	s0 =	sadd.s32 @!p0 $0x100000, s0;
	[bflag:$0x2] =	sbarrier.arrive $0xFFFF  }
0x5e: {  	[sflag:s0] =	ssyncadd.tile.s32 @!p0 $0x1;
	_ =	shalt  }
.Lfunc_end1:
_tile_overlayer_lowered:
.L_overlay_start_2:
0x5f: {  	(tag) =	ssettag $0x2  }
0x60: {  	s0 =	rddreg [dreg:$0x0];
	s2 =	stileid.u32  }
0x61: {  	s1 =	rddreg [dreg:$0x1];
	p0 =	sne.s32 s2, $0x0  }
0x62: {  	s3 =	rddreg [dreg:$0x2];
	[bflag:$0x3] =	sbarrier.arrive $0xFFFF;
	s2 =	simm.s32 @!p0 $0x1C01  }
0x63: {  	[timem:s3], [sflag:s2] =	dma.local @!p0 [hbm:s0], s1  }
0x64: {  	s0 =	simm.s32 @!p0 $0x1  }
0x65: {  	_ =	swait.ge @!p0 [sflag:s0], s1  }
0x66: {  	s1 =	ssub.s32 @!p0 $0x0, s1;
	[sflag:s0] =	ssyncset.done @!p0 $0x0  }
0x67: {  	[sflag:s0] =	ssyncadd.s32 @!p0 s1  }
0x68: {  	[bflag:$0x3] =	sbarrier.arrive $0xFFFF  }
0x69: {  	_ =	shalt  }

// kernel: sparse-core-data-format-call.cloned.1.call-start
scs
called_computation_lowered:
.L_overlay_start_0:
0x0: {  	s2 =	sld [smem:$0x3FD9]  }
0x1: {  	s3 =	sld [smem:$0x3FFE];
	_ =	sdelay $0x1  }
0x2: {  	s1 =	srdreg.scid  }
0x3: {  	s0 =	sand.u32 $0x1, s1  }
0x4: {  	s18 =	sshll.u32 s0, $0xA;
	s2 =	sadd.s32 s3, s2  }
0x5: {  	s2 =	sadd.s32 s2, s18  }
0x6: {  	[smem:$0x3FC5] =	sst s2  }
0x7: {  	_ = 	snop  }
0x8: {  	s2 =	sld [smem:$0x3FD0];
	(tm) =	ssettm $0x1  }
0x9: {  	s19 =	sld [smem:$0x3FFB];
	_ =	sdelay $0x3  }
0xa: {  	_ =	strace s19  }
0xb: {  	s3 =	sld [smem:$0x3FFC];
	_ =	sdelay $0x3  }
0xc: {  	_ =	strace s3  }
0xd: {  	s3 =	sld [smem:$0x3FFD];
	_ =	sdelay $0x3  }
0xe: {  	_ =	strace s3  }
0xf: {  	_ =	strace $0x8FFFFFFF  }
0x10: {  	s20 =	sld [smem:$0x3FDB];
	_ =	sdelay $0x1  }
0x11: {  	s4 =	simm.s32 $_scs_section_size  }
0x12: {  	s5 =	simm.s32 $_size__tile_overlayer_lowered;
	s6 =	simm.s32 $_tile_overlayer_lowered  }
0x13: {  	s23 =	simm.s32 $0x1BFF;
	s22 =	sshll.u32 s6, $0x1;
	s3 =	sadd.s32 s4, s20  }
0x14: {  	s7 =	simm.s32 $0x0;
	s21 =	sshll.u32 s5, $0x1;
	s5 =	sadd.s32 s22, s3  }
0x15: {  	[timem:s7], [sflag:s23] =	dma.local [hbm:s5], s21  }
0x16: {  	_ =	swait.ge [sflag:s23], s21  }
0x17: {  	s4 =	ssub.s32 $0x0, s21;
	[sflag:s23] =	ssyncset.done $0x0  }
0x18: {  	[sflag:s23] =	ssyncadd.s32 s4;
	_ =	sdelay $0x1  }
0x19: {  	s24 =	simm.s32 $0x1B8B  }
0x1a: {  	_ =	swait.ge [sflag:s24], $0x1  }
0x1b: {  	[sflag:s24] =	ssyncset.done $0x0  }
0x1c: {  	s26 =	simm.s32 $0x1B8E;
	s25 =	sld [smem:$0x3FFE];
	[sflag:s24] =	ssyncadd.s32 $0xFFFFFFFF  }
0x1d: {  	s27 =	simm.s32 $execute0_lowered;
	[smem:$0x3FD2] =	sst s26  }
0x1e: {  	s5 =	sshll.u32 s27, $0x1;
	_ =	strace $0x8000004C;
	[dreg:$0x1] =	wrdreg $0xFFFFFFFF  }
0x1f: {  	s28 =	simm.s32 $_size_execute0_lowered;
	s3 =	sadd.s32 s3, s5;
	[dreg:$0x0] =	wrdreg $0x0  }
0x20: {  	s5 =	sshll.u32 s28, $0x1;
	[dreg:$0x2] =	wrdreg s3  }
0x21: {  	[dreg:$0x3] =	wrdreg s5  }
0x22: {  	[dreg:$0x4] =	wrdreg $0xC0  }
0x23: {  	_ =	task [dreg:s7], $0x5FFFF  }
0x24: {  	[dreg:$0x1] =	wrdreg $0xFFFFFFFF  }
0x25: {  	[dreg:$0x0] =	wrdreg $0x60  }
0x26: {  	[dreg:$0x2] =	wrdreg s25  }
0x27: {  	[dreg:$0x3] =	wrdreg s2  }
0x28: {  	[dreg:$0x4] =	wrdreg $0x9  }
0x29: {  	_ =	task.clear_ibuf [dreg:s7], $0x5FFFF;
	_ =	strace $0x9000004C  }
0x2a: {  	s29 =	simm.s32 $0x9;
	_ =	strace $0x8000004E  }
0x2b: {  	_ =	swait.ge [sflag:s29], $0x1  }
0x2c: {  	[sflag:s29] =	ssyncadd.s32 $0xFFFFFFFF  }
0x2d: {  	_ =	strace $0x9000004E  }
0x2e: {  	_ =	sfence  }
0x2f: {  	s30 =	sld [smem:$0x0];
	_ =	sdelay $0x2  }
0x30: {  	s31 =	sshll.u32 s1, $0xD;
	s1 =	sshrl.u32 s1, $0x2  }
0x31: {  	s3 =	sand.u32 $0x4000, s31;
	s1 =	sadd.s32 s1, s30  }
0x32: {  	s0 =	sor.u32 s3, s0;
	s1 =	sshll.u32 s1, $0x11  }
0x33: {  	s0 =	sor.u32 s1, s0  }
0x34: {  	s0 =	sadd.s32 $0x8F2B, s0  }
0x35: {  	[sflag:s0] =	ssyncadd.remote.s32 $0x1  }
0x36: {  	_ =	sfence.sel $0xFFFF  }
0x37: {  	[dreg:$0x0] =	wrdreg $0xFFFFFFFF;
	(pc) =	sbr.abs _section_cstart, $3  }
0x38: {  	[dreg:$0x1] =	wrdreg $0xFFFFFFFF  }
0x39: {  	_ =	task.clear_ibuf [dreg:s7], $0x2FFFF;
	_ =	strace $0x9FFFFFFF  }
0x3a: {  	(tm) =	ssettm $0x7FFFFFFF  }
0x3b: {  	_ =	shalt  }
tec
execute0_lowered:
.L_overlay_start_1:
0x0: {  	(tag) =	ssettag $0x1  }
0x1: {  	s0 =	srdreg.scid  }
0x2: {  	s1 =	sshll.u32 s0, $0x4  }
0x3: {  	s0 =	stileid.u32;
	s1 =	sand.u32 $0x10, s1  }
0x4: {  	s7 =	rddreg [dreg:$0x0];
	s1 =	sor.u32 s0, s1  }
0x5: {  	s4 =	simm.s32 $0x1;
	s8 =	simm.s32 $0x2;
	s2 =	sshll.u32 s1, $0x7  }
0x6: {  	s13 =	simm.s32 $0x0;
	s9 =	simm.s32 $0x20000;
	s1 =	ssub.s32 $0x4000, s2  }
0x7: {  	s14 =	simm.s32 $0x0;
	s11 =	simm.s32 $0x0;
	s3 =	sand.u32 $0xF80, s1  }
0x8: {  	s12 =	simm.s32 $0x0;
	s5 =	sshrl.u32 s1, $0xC;
	p0 =	sne.s32 s3, $0x0  }
.Ltmp0:
0x9: {  	s1 =	rddreg [dreg:$0x2];
	s4 =	simm.s32 @!p0 $0x0;
	(pc) =	sbr.rel .LBB1_1-.Ltmp0, $4  }
0xa: {  	s6 =	sadd.s32 $0xE00, s7;
	s3 =	rddreg [dreg:$0x1];
	s5 =	sadd.s32 s4, s5  }
0xb: {  	_ =	strace $0x8000004D;
	s4 =	simm.s32 $0x1;
	s5 =	smul.u32 $0x19, s5  }
0xc: {  	s7 =	sadd.s32 $0x40E00, s7;
	s10 =	smov.u32 s2;
	[sflag:s4] =	ssyncpa.u1 $0x0  }
0xd: {  	p0 =	por $0x0, $0x0;
	[sflag:s8] =	ssyncpa.u1 $0x0;
	s8 =	sadd.s32 $0x1, s5  }
.LBB1_7:
0xe: {  	s15 =	sadd.s32 $0x1000, s10  }
0xf: {  	s13 =	sadd.s32 $0x2, s11;
	s17 =	smov.u32 s11;
	p2 =	sgt.s32 s15, $0x3FFF  }
0x10: {  	s17 =	smov.u32 @p2 s13  }
0x11: {  	s15 =	smov.u32 @p2 s2;
	p2 =	sgt.s32 s17, $0x31  }
0x12: {  	s17 =	simm.s32 @p2 $0x0;
	p2 =	sne.s32 s12, s8  }
.Ltmp1:
0x13: {  	p1 =	slt.u32 s12, $0x2;
	(pc) =	sbr.rel @!p2 .LBB1_8-.Ltmp1, $4  }
0x14: {  	s16 =	simm.s32 @!p1 $0x2  }
0x15: {  	s14 =	smov.u32 s11;
	p0 =	por !p0, !p0;
	_ =	swait.ge @!p1 [sflag:s16], $0x4000  }
0x16: {  	s13 =	smov.u32 s10;
	[sflag:s16] =	ssyncset.done @!p1 $0x0;
	s10 =	smov.u32 s15  }
0x17: {  	s12 =	sadd.s32 $0x1, s12;
	[sflag:s16] =	ssyncadd.s32 @!p1 $0xFFFFC000;
	s11 =	smov.u32 s17  }
.LBB1_1:
0x18: {  	p1 =	sge.u32 s12, s5  }
0x19: {  	s15 =	sxor.u32 @!p1 $0xFFFFFFFF, s12;
	s16 =	sshll.u32 @!p1 s11, $0x12  }
0x1a: {  	s17 =	sshll.u32 @!p1 s10, $0x4;
	s19 =	simm.s32 @!p1 $0x40;
	s20 =	simm.s32 @!p1 $0x80  }
0x1b: {  	s15 =	sshll.u32 @!p1 s15, $0xE;
	s17 =	sand.u32 @!p1 $0x3FFF0, s17;
	s18 =	sadd.s32 @!p1 s6, s16  }
0x1c: {  	s16 =	sadd.s32 @!p1 s16, s7;
	s15 =	sand.u32 @!p1 $0x4000, s15;
	s18 =	sadd.s32 @!p1 s17, s18  }
0x1d: {  	[tilespmem:s15], [sflag:$0x1] =	stream.strided.gather @!p1 [hbm4b:s18+s19], $0x2000, s20, s19, $0x38;
	[tilespmem:$0x10100] =	vst v63  }
0x1e: {  	s31 =	sadd.s32 $0xFFFFFFFF, s12;
	s16 =	sadd.s32 @!p1 s17, s16;
	s15 =	sor.u32 @!p1 $0x2000, s15  }
0x1f: {  	[tilespmem:s15], [sflag:$0x1] =	stream.strided.gather @!p1 [hbm4b:s16+s19], $0x2000, s20, s19, $0x38;
	[tilespmem:$0x10100] =	vst v63  }
0x20: {  	p1 =	sge.u32 s31, s5  }
.Ltmp2:
0x21: {  	_ = 	snop;
	(pc) =	sbr.rel @p1 .LBB1_7-.Ltmp2, $1  }
0x22: {  	_ =	sdelay $0x3  }
0x23: {  	s15 =	simm.s32 $0x1;
	s17 =	sand.u32 $0x1, s12  }
0x24: {  	_ =	swait.ge [sflag:s4], $0x4000;
	s15 =	simm.s32 @!p0 $0x0;
	s17 =	smul.u32 $0x10200, s17  }
0x25: {  	p2 =	por $0x1, $0x1;
	[sflag:s4] =	ssyncset.done $0x0;
	s16 =	smul.u32 $0x10200, s15  }
0x26: {  	s18 =	sshll.u32 s15, $0x10;
	[sflag:s4] =	ssyncadd.s32 $0xFFFFC000;
	s30 =	sshrl.u32 s17, $0x2  }
0x27: {  	s31 =	sshrl.u32 s18, $0x2;
	s18 =	simm.s32 $0x0;
	s16 =	sshrl.u32 s16, $0x2  }
0x28: {  	s15 =	sor.u32 $0x8000, s30;
	s17 =	sadd.s32 $0x20, s31;
	s16 =	sor.u32 $0x8000, s16  }
.LBB1_3:
0x29: {  	s19 =	sshll.u32 s18, $0xD  }
0x2a: {  	s19 =	sand.u32 $0x3FFFE000, s19  }
0x2b: {  	s21 =	sadd.s32 s19, s17  }
0x2c: {  	s31 =	smul.u32 $0x8100, s18;
	v3 =	vld [tilespmem:s21+$0x10]  }
0x2d: {  	v1 =	vld [tilespmem:s21+$0xFFFFFFF0]  }
0x2e: {  	s18 =	sshra.s32 s31, $0x2;
	v0 =	vld [tilespmem:s21+$0x0]  }
0x2f: {  	s18 =	sadd.s32 s18, s16;
	v2 =	vld [tilespmem:s21+$0xFFFFFFE0]  }
0x30: {  	s19 =	sadd.s32 $0x0, s18  }
0x31: {  	p1 =	por p2, p2;
	s20 =	simm.s32 $0x4;
	s21 =	sadd.s32 $0x40, s21;
	[tilespmem:s19+$0x1830 ss:$0x81] =	vst.msk $0xffff, v3  }
.LBB1_4:
0x32: {  	v3 =	vld [tilespmem:s21+$0x10];
	p2 =	sne.s32 s20, $0x1FC;
	[tilespmem:s19+$0x810 ss:$0x81] =	vst.msk $0xffff, v1;
	s22 =	smov.u32 s20;
	s20 =	sadd.s32 $0x4, s20  }
.Ltmp3:
0x33: {  	v1 =	vld [tilespmem:s21+$0xFFFFFFF0];
	[tilespmem:s19+$0x1020 ss:$0x81] =	vst.msk $0xffff, v0;
	(pc) =	sbr.rel @p2 .LBB1_4-.Ltmp3, $4  }
0x34: {  	v0 =	vld [tilespmem:s21+$0x0];
	[tilespmem:s19+$0x0 ss:$0x81] =	vst.msk $0xffff, v2  }
0x35: {  	s19 =	sshra.s32 s22, $0x2;
	v2 =	vld [tilespmem:s21+$0xFFFFFFE0]  }
0x36: {  	s19 =	sadd.s32 s19, s18  }
0x37: {  	s21 =	sadd.s32 $0x40, s21;
	[tilespmem:s19+$0x1830 ss:$0x81] =	vst.msk $0xffff, v3  }
.Ltmp4:
0x38: {  	(pc) =	sbr.rel @p1 .LBB1_3-.Ltmp4, $4  }
0x39: {  	_ = 	snop  }
0x3a: {  	[tilespmem:s19+$0x810 ss:$0x81] =	vst.msk $0xffff, v1  }
0x3b: {  	[tilespmem:s19+$0x1020 ss:$0x81] =	vst.msk $0xffff, v0  }
0x3c: {  	s18 =	simm.s32 $0x1;
	p2 =	por $0x0, $0x0;
	[tilespmem:s19+$0x0 ss:$0x81] =	vst.msk $0xffff, v2  }
0x3d: {  	s16 =	sshll.u32 s13, $0x3;
	s17 =	sand.u32 $0x78, s13;
	s14 =	sshll.u32 s14, $0x11  }
.Ltmp5:
0x3e: {  	s30 =	sand.u32 $0x1F800, s13;
	s16 =	sand.u32 $0x3C00, s16;
	(pc) =	sbr.rel .LBB1_7-.Ltmp5, $4  }
0x3f: {  	s31 =	sand.u32 $0x7, s13;
	s14 =	sadd.s32 s3, s14;
	s16 =	sor.u32 s17, s16  }
0x40: {  	s13 =	sshll.u32 s31, $0x12;
	s14 =	sadd.s32 s30, s14;
	s16 =	sshrl.u32 s16, $0x3  }
0x41: {  	s13 =	sor.u32 $0x400, s13;
	s14 =	sadd.s32 s16, s14  }
0x42: {  	[hbm4b:s14+s13] =	stream.strided.scatter [tilespmem:s15], [sflag:$0x2], $0x4000, s9, s13, $0x20;
	[tilespmem:$0x10100] =	vst v63  }
.LBB1_8:
0x43: {  	_ =	sfence.sel $0x180000  }
0x44: {  	s2 =	simm.s32 $0x1;
	[bflag:$0x0] =	sbarrier.arrive $0xFFFF  }
0x45: {  	s31 =	simm.s32 $0x2;
	[sflag:s2] =	ssyncpa.u1 $0x1  }
0x46: {  	[sflag:s31] =	ssyncpa.u1 $0x1  }
0x47: {  	p0 =	sne.s32 s0, $0x0;
	_ =	strace $0x9000004D  }
0x48: {  	s0 =	sadd.s32 @!p0 $0x100000, s1;
	[bflag:$0x2] =	sbarrier.arrive $0xFFFF  }
0x49: {  	[sflag:s0] =	ssyncadd.tile.s32 @!p0 $0x1;
	_ =	shalt  }
.Lfunc_end1:
_tile_overlayer_lowered:
.L_overlay_start_2:
0x4a: {  	(tag) =	ssettag $0x2  }
0x4b: {  	s0 =	rddreg [dreg:$0x0];
	s2 =	stileid.u32  }
0x4c: {  	s1 =	rddreg [dreg:$0x1];
	p0 =	sne.s32 s2, $0x0  }
0x4d: {  	s3 =	rddreg [dreg:$0x2];
	[bflag:$0x3] =	sbarrier.arrive $0xFFFF;
	s2 =	simm.s32 @!p0 $0x1C01  }
0x4e: {  	[timem:s3], [sflag:s2] =	dma.local @!p0 [hbm:s0], s1  }
0x4f: {  	s0 =	simm.s32 @!p0 $0x1  }
0x50: {  	_ =	swait.ge @!p0 [sflag:s0], s1  }
0x51: {  	s1 =	ssub.s32 @!p0 $0x0, s1;
	[sflag:s0] =	ssyncset.done @!p0 $0x0  }
0x52: {  	[sflag:s0] =	ssyncadd.s32 @!p0 s1  }
0x53: {  	[bflag:$0x3] =	sbarrier.arrive $0xFFFF  }
0x54: {  	_ =	shalt  }

</sc_bundles>
